<compile_context>
chip_gen: v7x
topology: tpu7x:2x2x1
jax: 0.10.2.dev20260603
libtpu: 0.0.44.dev20260713+nightly
codegen_flags: <defaults>
</compile_context>

<pallas_src>
import functools

import jax
import jax.numpy as jnp
from jax import lax
from jax.experimental import pallas as pl
from jax.experimental.pallas import tpu as pltpu
from jax.experimental.pallas import tpu_sc as plsc

_B = 4
_N = 2048
_NQ = _B * _N
_L = 16


def _ladder(m1, m2, m3, d):
    t = jnp.maximum(m1, d)
    m1 = jnp.minimum(m1, d)
    t2 = jnp.maximum(m2, t)
    m2 = jnp.minimum(m2, t)
    m3 = jnp.minimum(m3, t2)
    return m1, m2, m3


def _ladder2(m1, m2, d):
    t = jnp.maximum(m1, d)
    m1 = jnp.minimum(m1, d)
    m2 = jnp.minimum(m2, t)
    return m1, m2


def _sc_knn(p1t, p2t, c1t, out, kx, ky, kz, cr, cg, cb, qx, qy, qz,
            db0, db1, ovr, ovg, ovb):
    nw = 32
    qpw = _NQ // nw
    wid = lax.axis_index("c") * 16 + lax.axis_index("s")
    b = wid // (_N // qpw)
    qoff = (wid % (_N // qpw)) * qpw

    pltpu.sync_copy(p1t.at[pl.ds((b * 3 + 0) * _N, _N)], kx)
    pltpu.sync_copy(p1t.at[pl.ds((b * 3 + 1) * _N, _N)], ky)
    pltpu.sync_copy(p1t.at[pl.ds((b * 3 + 2) * _N, _N)], kz)
    pltpu.sync_copy(c1t.at[pl.ds((b * 3 + 0) * _N, _N)], cr)
    pltpu.sync_copy(c1t.at[pl.ds((b * 3 + 1) * _N, _N)], cg)
    pltpu.sync_copy(c1t.at[pl.ds((b * 3 + 2) * _N, _N)], cb)
    pltpu.sync_copy(p2t.at[pl.ds((b * 3 + 0) * _N + qoff, qpw)], qx)
    pltpu.sync_copy(p2t.at[pl.ds((b * 3 + 1) * _N + qoff, qpw)], qy)
    pltpu.sync_copy(p2t.at[pl.ds((b * 3 + 2) * _N + qoff, qpw)], qz)

    inf16 = jnp.full((_L,), jnp.inf, jnp.float32)
    zero16 = jnp.zeros((_L,), jnp.float32)
    one16 = jnp.ones((_L,), jnp.float32)

    lane = lax.iota(jnp.int32, _L)
    ninf16 = jnp.full((_L,), -jnp.inf, jnp.float32)

    _dn = lax.GatherDimensionNumbers(
        offset_dims=(), collapsed_slice_dims=(0,), start_index_map=(0,))

    def _shuf(v, idx):
        return lax.gather(v, idx[:, None], _dn, (1,),
                          mode=lax.GatherScatterMode.PROMISE_IN_BOUNDS)

    def _bfly(v, op):
        for s in (8, 4, 2, 1):
            v = op(v, _shuf(v, lane ^ s))
        return v

    def _qcoord(qv, g, sel):
        return _bfly(jnp.where(sel, qv[pl.ds(g * _L, _L)], ninf16),
                     jnp.maximum)

    def _thresh2(m1, m2):
        r1 = _bfly(m1, jnp.minimum)
        e1 = m1 == r1
        m1 = jnp.where(e1, m2, m1)
        m2 = jnp.where(e1, inf16, m2)
        r2 = _bfly(m1, jnp.minimum)
        e2 = m1 == r2
        m1 = jnp.where(e2, m2, m1)
        return _bfly(m1, jnp.minimum)

    def _thresh(m1, m2, m3):
        r1 = _bfly(m1, jnp.minimum)
        e1 = m1 == r1
        m1 = jnp.where(e1, m2, m1)
        m2 = jnp.where(e1, m3, m2)
        r2 = _bfly(m1, jnp.minimum)
        e2 = m1 == r2
        m1 = jnp.where(e2, m2, m1)
        return _bfly(m1, jnp.minimum)

    def pair_body(jp, _):
        j0 = jp * 2
        g = j0 // _L
        sel0 = lane == (j0 % _L)
        sel1 = lane == (j0 % _L + 1)
        qx0 = _qcoord(qx, g, sel0)
        qy0 = _qcoord(qy, g, sel0)
        qz0 = _qcoord(qz, g, sel0)
        qx1 = _qcoord(qx, g, sel1)
        qy1 = _qcoord(qy, g, sel1)
        qz1 = _qcoord(qz, g, sel1)

        def _dist(kxc, kyc, kzc, qxv, qyv, qzv):
            dx = kxc - qxv
            dy = kyc - qyv
            dz = kzc - qzv
            return (dx * dx + dy * dy) + dz * dz

        def p1_body(c, ms):
            m10, m20, m11, m21 = ms
            off = c * 32
            for half in (0, 1):
                o = off + half * _L
                kxc = kx[pl.ds(o, _L)]
                kyc = ky[pl.ds(o, _L)]
                kzc = kz[pl.ds(o, _L)]
                da = _dist(kxc, kyc, kzc, qx0, qy0, qz0)
                db0[pl.ds(o, _L)] = da
                dbv = _dist(kxc, kyc, kzc, qx1, qy1, qz1)
                db1[pl.ds(o, _L)] = dbv
                m10, m20 = _ladder2(m10, m20, da)
                m11, m21 = _ladder2(m11, m21, dbv)
            return (m10, m20, m11, m21)

        m10, m20, m11, m21 = lax.fori_loop(
            0, _N // 32, p1_body, (inf16,) * 4)
        thr0 = _thresh2(m10, m20)
        thr1 = _thresh2(m11, m21)

        def p2_body(c, acc):
            ar0, ag0, ab0, cn0, ar1, ag1, ab1, cn1 = acc
            off = c * 32
            for half in (0, 1):
                o = off + half * _L
                crc = cr[pl.ds(o, _L)]
                cgc = cg[pl.ds(o, _L)]
                cbc = cb[pl.ds(o, _L)]
                s0 = db0[pl.ds(o, _L)] <= thr0
                ar0 = ar0 + jnp.where(s0, crc, zero16)
                ag0 = ag0 + jnp.where(s0, cgc, zero16)
                ab0 = ab0 + jnp.where(s0, cbc, zero16)
                cn0 = cn0 + plsc.all_reduce_population_count(s0)
                s1 = db1[pl.ds(o, _L)] <= thr1
                ar1 = ar1 + jnp.where(s1, crc, zero16)
                ag1 = ag1 + jnp.where(s1, cgc, zero16)
                ab1 = ab1 + jnp.where(s1, cbc, zero16)
                cn1 = cn1 + plsc.all_reduce_population_count(s1)
            return (ar0, ag0, ab0, cn0, ar1, ag1, ab1, cn1)

        izero = jnp.zeros((_L,), jnp.int32)
        ar0, ag0, ab0, cn0, ar1, ag1, ab1, cn1 = lax.fori_loop(
            0, _N // 32, p2_body,
            (zero16, zero16, zero16, izero, zero16, zero16, zero16, izero))

        def _exact_one(dbuf):
            def lad_body(c, ms):
                m1, m2, m3 = ms
                m1, m2, m3 = _ladder(m1, m2, m3, dbuf[pl.ds(c * 32, _L)])
                return _ladder(m1, m2, m3, dbuf[pl.ds(c * 32 + _L, _L)])

            m1, m2, m3 = lax.fori_loop(0, _N // 32, lad_body, (inf16,) * 3)
            thr = _thresh(m1, m2, m3)

            def acc_body(c, acc):
                ar, ag, ab, cn = acc
                for half in (0, 1):
                    o = c * 32 + half * _L
                    s = dbuf[pl.ds(o, _L)] <= thr
                    ar = ar + jnp.where(s, cr[pl.ds(o, _L)], zero16)
                    ag = ag + jnp.where(s, cg[pl.ds(o, _L)], zero16)
                    ab = ab + jnp.where(s, cb[pl.ds(o, _L)], zero16)
                    cn = cn + plsc.all_reduce_population_count(s)
                return (ar, ag, ab, cn)

            return lax.fori_loop(
                0, _N // 32, acc_body,
                (zero16, zero16, zero16, jnp.zeros((_L,), jnp.int32)))

        ar0, ag0, ab0, cn0 = lax.cond(
            jnp.max(cn0) == 3,
            lambda: (ar0, ag0, ab0, cn0),
            lambda: _exact_one(db0))
        ar1, ag1, ab1, cn1 = lax.cond(
            jnp.max(cn1) == 3,
            lambda: (ar1, ag1, ab1, cn1),
            lambda: _exact_one(db1))

        inv0 = one16 / cn0.astype(jnp.float32)
        inv1 = one16 / cn1.astype(jnp.float32)
        r0 = _bfly(ar0, jnp.add) * inv0
        g0 = _bfly(ag0, jnp.add) * inv0
        b0 = _bfly(ab0, jnp.add) * inv0
        r1 = _bfly(ar1, jnp.add) * inv1
        g1 = _bfly(ag1, jnp.add) * inv1
        b1 = _bfly(ab1, jnp.add) * inv1
        ovr[pl.ds(g * _L, _L)] = jnp.where(
            sel0, r0, jnp.where(sel1, r1, ovr[pl.ds(g * _L, _L)]))
        ovg[pl.ds(g * _L, _L)] = jnp.where(
            sel0, g0, jnp.where(sel1, g1, ovg[pl.ds(g * _L, _L)]))
        ovb[pl.ds(g * _L, _L)] = jnp.where(
            sel0, b0, jnp.where(sel1, b1, ovb[pl.ds(g * _L, _L)]))
        return 0

    lax.fori_loop(0, qpw // 2, pair_body, 0)

    base = b * _N + qoff
    pltpu.sync_copy(ovr, out.at[pl.ds(0 * _NQ + base, qpw)])
    pltpu.sync_copy(ovg, out.at[pl.ds(1 * _NQ + base, qpw)])
    pltpu.sync_copy(ovb, out.at[pl.ds(2 * _NQ + base, qpw)])


def kernel(points1, points2, colors1):
    f32 = jnp.float32
    p1t = jnp.transpose(points1, (0, 2, 1)).reshape(_B * 3 * _N)
    p2t = jnp.transpose(points2, (0, 2, 1)).reshape(_B * 3 * _N)
    c1t = jnp.transpose(colors1, (0, 2, 1)).reshape(_B * 3 * _N)

    mesh = plsc.VectorSubcoreMesh(core_axis_name="c", subcore_axis_name="s")
    sc = functools.partial(
        pl.kernel,
        mesh=mesh,
        compiler_params=pltpu.CompilerParams(needs_layout_passes=False),
        out_type=jax.ShapeDtypeStruct((3 * _NQ,), f32),
        scratch_types=[
            pltpu.VMEM((_N,), f32),
            pltpu.VMEM((_N,), f32),
            pltpu.VMEM((_N,), f32),
            pltpu.VMEM((_N,), f32),
            pltpu.VMEM((_N,), f32),
            pltpu.VMEM((_N,), f32),
            pltpu.VMEM((_NQ // 32,), f32),
            pltpu.VMEM((_NQ // 32,), f32),
            pltpu.VMEM((_NQ // 32,), f32),
            pltpu.VMEM((_N,), f32),
            pltpu.VMEM((_N,), f32),
            pltpu.VMEM((_NQ // 32,), f32),
            pltpu.VMEM((_NQ // 32,), f32),
            pltpu.VMEM((_NQ // 32,), f32),
        ],
    )(_sc_knn)
    out_t = sc(p1t, p2t, c1t)
    return jnp.transpose(out_t.reshape(3, _B, _N), (1, 2, 0))

# --- scband reference (transcript-rebuilt; emitter-appended) ---
"""Pipeline reference for scband-knntorch-18554258719213 (READ-ONLY COPY).

The authoritative reference and input builder live on the scoring server;
editing this copy changes nothing except your own understanding.
"""

import jax, jax.numpy as jnp
import numpy as np

NUM_QUERY = 3

def setup_inputs(seed: int = 0) -> dict:
    key = jax.random.key(seed)
    k1, k2, k3 = jax.random.split(key, 3)
    points1 = jax.random.normal(k1, (4, 2048, 3), dtype=jnp.float32)
    points2 = jax.random.normal(k2, (4, 2048, 3), dtype=jnp.float32)
    colors1 = jax.random.uniform(k3, (4, 2048, 3), dtype=jnp.float32)
    return {"points1": points1, "points2": points2, "colors1": colors1}

def reference(points1, points2, colors1):
    # square_distance(points2, points1): [B, N2, N1]
    dist = jnp.sum((points2[:, :, None, :] - points1[:, None, :, :]) ** 2, axis=-1)
    # torch.topk(dist, k, largest=False) -> smallest-k; emulate via top_k of negated dist
    _, query_idx = jax.lax.top_k(-dist, NUM_QUERY)  # [B, N2, k], ascending distance order
    # gather colors of the k nearest neighbors: colors1[b, query_idx[b]] -> [B, N2, k, 3]
    knn_color = jax.vmap(lambda c, idx: c[idx])(colors1, query_idx)
    knn_color = jnp.mean(knn_color, axis=2)  # [B, N2, 3]
    return knn_color

if __name__ == "__main__":
    import jax
    _d = setup_inputs()
    print(jax.jit(kernel)(*tuple(_d.values())))

</pallas_src>

<mosaic_0001>
#map = affine_map<(d0, d1) -> (0)>
module attributes {stable_mosaic.version = 14 : i64} {
  func.func @_sc_knn(%arg0: i32, %arg1: i32, %arg2: memref<24576xf32, #tpu.memory_space<hbm>>, %arg3: memref<24576xf32, #tpu.memory_space<hbm>>, %arg4: memref<24576xf32, #tpu.memory_space<hbm>>, %arg5: memref<24576xf32, #tpu.memory_space<hbm>>, %arg6: memref<2048xf32, #tpu.memory_space<vmem>>, %arg7: memref<2048xf32, #tpu.memory_space<vmem>>, %arg8: memref<2048xf32, #tpu.memory_space<vmem>>, %arg9: memref<2048xf32, #tpu.memory_space<vmem>>, %arg10: memref<2048xf32, #tpu.memory_space<vmem>>, %arg11: memref<2048xf32, #tpu.memory_space<vmem>>, %arg12: memref<256xf32, #tpu.memory_space<vmem>>, %arg13: memref<256xf32, #tpu.memory_space<vmem>>, %arg14: memref<256xf32, #tpu.memory_space<vmem>>, %arg15: memref<2048xf32, #tpu.memory_space<vmem>>, %arg16: memref<2048xf32, #tpu.memory_space<vmem>>, %arg17: memref<256xf32, #tpu.memory_space<vmem>>, %arg18: memref<256xf32, #tpu.memory_space<vmem>>, %arg19: memref<256xf32, #tpu.memory_space<vmem>>) attributes {dimension_semantics = [#tpu.dimension_semantics<core_parallel>, #tpu.dimension_semantics<subcore_parallel>], iteration_bounds = array<i64: 2, 16>, scalar_prefetch = 0 : i64, scratch_operands = 14 : i64, tpu.core_type = #tpu.core_type<sc_vector_subcore>, window_params = [{transform_indices = #map}, {transform_indices = #map}, {transform_indices = #map}, {transform_indices = #map}]} {
    %mul3A = arith.constant 16 : i32
    %mul3A_0 = arith.muli %arg0, %mul3A : i32
    %add3A = arith.addi %mul3A_0, %arg1 : i32
    %jit3A = arith.constant 8 : i32
    %div3A = arith.divsi %add3A, %jit3A : i32
    %sign3A = arith.constant 0 : i32
    %sign3A_1 = arith.cmpi sgt, %add3A, %sign3A : i32
    %sign3A_2 = arith.extui %sign3A_1 : i1 to i32
    %sign3A_3 = arith.constant 0 : i32
    %sign3A_4 = arith.cmpi slt, %add3A, %sign3A_3 : i32
    %sign3A_5 = arith.extui %sign3A_4 : i1 to i32
    %sign3A_6 = arith.subi %sign3A_2, %sign3A_5 : i32
    %sign3A_7 = arith.constant 0 : i32
    %sign3A_8 = arith.cmpi sgt, %jit3A, %sign3A_7 : i32
    %sign3A_9 = arith.extui %sign3A_8 : i1 to i32
    %sign3A_10 = arith.constant 0 : i32
    %sign3A_11 = arith.cmpi slt, %jit3A, %sign3A_10 : i32
    %sign3A_12 = arith.extui %sign3A_11 : i1 to i32
    %sign3A_13 = arith.subi %sign3A_9, %sign3A_12 : i32
    %ne3A = arith.cmpi ne, %sign3A_6, %sign3A_13 : i32
    %rem3A = arith.remsi %add3A, %jit3A : i32
    %ne3A_14 = arith.constant 0 : i32
    %ne3A_15 = arith.cmpi ne, %rem3A, %ne3A_14 : i32
    %and3A = arith.andi %ne3A, %ne3A_15 : i1
    %sub3A = arith.constant 1 : i32
    %sub3A_16 = arith.subi %div3A, %sub3A : i32
    %select_n3A = arith.select %and3A, %sub3A_16, %div3A : i32
    %jit3A_17 = arith.constant 8 : i32
    %eq3A = arith.constant 0 : i32
    %eq3A_18 = arith.cmpi eq, %jit3A_17, %eq3A : i32
    %jit3A_19 = arith.constant 1 : i32
    %select_n3A_20 = arith.select %eq3A_18, %jit3A_19, %jit3A_17 : i32
    %rem3A_21 = arith.remsi %add3A, %select_n3A_20 : i32
    %ne3A_22 = arith.constant 0 : i32
    %ne3A_23 = arith.cmpi ne, %rem3A_21, %ne3A_22 : i32
    %lt3A = arith.constant 0 : i32
    %lt3A_24 = arith.cmpi slt, %rem3A_21, %lt3A : i32
    %lt3A_25 = arith.constant 0 : i32
    %lt3A_26 = arith.cmpi slt, %select_n3A_20, %lt3A_25 : i32
    %ne3A_27 = arith.xori %lt3A_24, %lt3A_26 : i1
    %and3A_28 = arith.andi %ne3A_27, %ne3A_23 : i1
    %add3A_29 = arith.addi %rem3A_21, %select_n3A_20 : i32
    %select_n3A_30 = arith.select %and3A_28, %add3A_29, %rem3A_21 : i32
    %mul3A_31 = arith.constant 256 : i32
    %mul3A_32 = arith.muli %select_n3A_30, %mul3A_31 : i32
    %mul3A_33 = arith.constant 3 : i32
    %mul3A_34 = arith.muli %select_n3A, %mul3A_33 : i32
    %add3A_35 = arith.constant 0 : i32
    %add3A_36 = arith.addi %mul3A_34, %add3A_35 : i32
    %mul3A_37 = arith.constant 2048 : i32
    %mul3A_38 = arith.muli %add3A_36, %mul3A_37 : i32
    "tpu.region"() ({
      %run_scoped3A = tpu.sem_alloc : memref<!tpu.dma_semaphore, #tpu.memory_space<semaphore_mem>>
      %dma_start3A = tpu.memref_slice %arg2[%mul3A_38] : memref<24576xf32, #tpu.memory_space<hbm>> -> memref<2048xf32, #tpu.memory_space<hbm>>
      %dma_start3A_112 = tpu.memref_slice %arg2[%mul3A_38] : memref<24576xf32, #tpu.memory_space<hbm>> -> memref<2048xf32, #tpu.memory_space<hbm>>
      tpu.enqueue_dma source(%dma_start3A_112 : memref<2048xf32, #tpu.memory_space<hbm>>) target(%arg6 : memref<2048xf32, #tpu.memory_space<vmem>>) target_semaphore(%run_scoped3A : memref<!tpu.dma_semaphore, #tpu.memory_space<semaphore_mem>>)
      %dma_wait3A = tpu.memref_slice %arg2[%mul3A_38] : memref<24576xf32, #tpu.memory_space<hbm>> -> memref<2048xf32, #tpu.memory_space<hbm>>
      %dma_wait3A_113 = tpu.memref_slice %arg2[%mul3A_38] : memref<24576xf32, #tpu.memory_space<hbm>> -> memref<2048xf32, #tpu.memory_space<hbm>>
      tpu.wait_dma2 semaphore(%run_scoped3A : memref<!tpu.dma_semaphore, #tpu.memory_space<semaphore_mem>>) src(%dma_wait3A_113 : memref<2048xf32, #tpu.memory_space<hbm>>) dst(%arg6 : memref<2048xf32, #tpu.memory_space<vmem>>)
      tpu.yield
    }) : () -> ()
    %mul3A_39 = arith.constant 3 : i32
    %mul3A_40 = arith.muli %select_n3A, %mul3A_39 : i32
    %add3A_41 = arith.constant 1 : i32
    %add3A_42 = arith.addi %mul3A_40, %add3A_41 : i32
    %mul3A_43 = arith.constant 2048 : i32
    %mul3A_44 = arith.muli %add3A_42, %mul3A_43 : i32
    "tpu.region"() ({
      %run_scoped3A = tpu.sem_alloc : memref<!tpu.dma_semaphore, #tpu.memory_space<semaphore_mem>>
      %dma_start3A = tpu.memref_slice %arg2[%mul3A_44] : memref<24576xf32, #tpu.memory_space<hbm>> -> memref<2048xf32, #tpu.memory_space<hbm>>
      %dma_start3A_112 = tpu.memref_slice %arg2[%mul3A_44] : memref<24576xf32, #tpu.memory_space<hbm>> -> memref<2048xf32, #tpu.memory_space<hbm>>
      tpu.enqueue_dma source(%dma_start3A_112 : memref<2048xf32, #tpu.memory_space<hbm>>) target(%arg7 : memref<2048xf32, #tpu.memory_space<vmem>>) target_semaphore(%run_scoped3A : memref<!tpu.dma_semaphore, #tpu.memory_space<semaphore_mem>>)
      %dma_wait3A = tpu.memref_slice %arg2[%mul3A_44] : memref<24576xf32, #tpu.memory_space<hbm>> -> memref<2048xf32, #tpu.memory_space<hbm>>
      %dma_wait3A_113 = tpu.memref_slice %arg2[%mul3A_44] : memref<24576xf32, #tpu.memory_space<hbm>> -> memref<2048xf32, #tpu.memory_space<hbm>>
      tpu.wait_dma2 semaphore(%run_scoped3A : memref<!tpu.dma_semaphore, #tpu.memory_space<semaphore_mem>>) src(%dma_wait3A_113 : memref<2048xf32, #tpu.memory_space<hbm>>) dst(%arg7 : memref<2048xf32, #tpu.memory_space<vmem>>)
      tpu.yield
    }) : () -> ()
    %mul3A_45 = arith.constant 3 : i32
    %mul3A_46 = arith.muli %select_n3A, %mul3A_45 : i32
    %add3A_47 = arith.constant 2 : i32
    %add3A_48 = arith.addi %mul3A_46, %add3A_47 : i32
    %mul3A_49 = arith.constant 2048 : i32
    %mul3A_50 = arith.muli %add3A_48, %mul3A_49 : i32
    "tpu.region"() ({
      %run_scoped3A = tpu.sem_alloc : memref<!tpu.dma_semaphore, #tpu.memory_space<semaphore_mem>>
      %dma_start3A = tpu.memref_slice %arg2[%mul3A_50] : memref<24576xf32, #tpu.memory_space<hbm>> -> memref<2048xf32, #tpu.memory_space<hbm>>
      %dma_start3A_112 = tpu.memref_slice %arg2[%mul3A_50] : memref<24576xf32, #tpu.memory_space<hbm>> -> memref<2048xf32, #tpu.memory_space<hbm>>
      tpu.enqueue_dma source(%dma_start3A_112 : memref<2048xf32, #tpu.memory_space<hbm>>) target(%arg8 : memref<2048xf32, #tpu.memory_space<vmem>>) target_semaphore(%run_scoped3A : memref<!tpu.dma_semaphore, #tpu.memory_space<semaphore_mem>>)
      %dma_wait3A = tpu.memref_slice %arg2[%mul3A_50] : memref<24576xf32, #tpu.memory_space<hbm>> -> memref<2048xf32, #tpu.memory_space<hbm>>
      %dma_wait3A_113 = tpu.memref_slice %arg2[%mul3A_50] : memref<24576xf32, #tpu.memory_space<hbm>> -> memref<2048xf32, #tpu.memory_space<hbm>>
      tpu.wait_dma2 semaphore(%run_scoped3A : memref<!tpu.dma_semaphore, #tpu.memory_space<semaphore_mem>>) src(%dma_wait3A_113 : memref<2048xf32, #tpu.memory_space<hbm>>) dst(%arg8 : memref<2048xf32, #tpu.memory_space<vmem>>)
      tpu.yield
    }) : () -> ()
    %mul3A_51 = arith.constant 3 : i32
    %mul3A_52 = arith.muli %select_n3A, %mul3A_51 : i32
    %add3A_53 = arith.constant 0 : i32
    %add3A_54 = arith.addi %mul3A_52, %add3A_53 : i32
    %mul3A_55 = arith.constant 2048 : i32
    %mul3A_56 = arith.muli %add3A_54, %mul3A_55 : i32
    "tpu.region"() ({
      %run_scoped3A = tpu.sem_alloc : memref<!tpu.dma_semaphore, #tpu.memory_space<semaphore_mem>>
      %dma_start3A = tpu.memref_slice %arg4[%mul3A_56] : memref<24576xf32, #tpu.memory_space<hbm>> -> memref<2048xf32, #tpu.memory_space<hbm>>
      %dma_start3A_112 = tpu.memref_slice %arg4[%mul3A_56] : memref<24576xf32, #tpu.memory_space<hbm>> -> memref<2048xf32, #tpu.memory_space<hbm>>
      tpu.enqueue_dma source(%dma_start3A_112 : memref<2048xf32, #tpu.memory_space<hbm>>) target(%arg9 : memref<2048xf32, #tpu.memory_space<vmem>>) target_semaphore(%run_scoped3A : memref<!tpu.dma_semaphore, #tpu.memory_space<semaphore_mem>>)
      %dma_wait3A = tpu.memref_slice %arg4[%mul3A_56] : memref<24576xf32, #tpu.memory_space<hbm>> -> memref<2048xf32, #tpu.memory_space<hbm>>
      %dma_wait3A_113 = tpu.memref_slice %arg4[%mul3A_56] : memref<24576xf32, #tpu.memory_space<hbm>> -> memref<2048xf32, #tpu.memory_space<hbm>>
      tpu.wait_dma2 semaphore(%run_scoped3A : memref<!tpu.dma_semaphore, #tpu.memory_space<semaphore_mem>>) src(%dma_wait3A_113 : memref<2048xf32, #tpu.memory_space<hbm>>) dst(%arg9 : memref<2048xf32, #tpu.memory_space<vmem>>)
      tpu.yield
    }) : () -> ()
    %mul3A_57 = arith.constant 3 : i32
    %mul3A_58 = arith.muli %select_n3A, %mul3A_57 : i32
    %add3A_59 = arith.constant 1 : i32
    %add3A_60 = arith.addi %mul3A_58, %add3A_59 : i32
    %mul3A_61 = arith.constant 2048 : i32
    %mul3A_62 = arith.muli %add3A_60, %mul3A_61 : i32
    "tpu.region"() ({
      %run_scoped3A = tpu.sem_alloc : memref<!tpu.dma_semaphore, #tpu.memory_space<semaphore_mem>>
      %dma_start3A = tpu.memref_slice %arg4[%mul3A_62] : memref<24576xf32, #tpu.memory_space<hbm>> -> memref<2048xf32, #tpu.memory_space<hbm>>
      %dma_start3A_112 = tpu.memref_slice %arg4[%mul3A_62] : memref<24576xf32, #tpu.memory_space<hbm>> -> memref<2048xf32, #tpu.memory_space<hbm>>
      tpu.enqueue_dma source(%dma_start3A_112 : memref<2048xf32, #tpu.memory_space<hbm>>) target(%arg10 : memref<2048xf32, #tpu.memory_space<vmem>>) target_semaphore(%run_scoped3A : memref<!tpu.dma_semaphore, #tpu.memory_space<semaphore_mem>>)
      %dma_wait3A = tpu.memref_slice %arg4[%mul3A_62] : memref<24576xf32, #tpu.memory_space<hbm>> -> memref<2048xf32, #tpu.memory_space<hbm>>
      %dma_wait3A_113 = tpu.memref_slice %arg4[%mul3A_62] : memref<24576xf32, #tpu.memory_space<hbm>> -> memref<2048xf32, #tpu.memory_space<hbm>>
      tpu.wait_dma2 semaphore(%run_scoped3A : memref<!tpu.dma_semaphore, #tpu.memory_space<semaphore_mem>>) src(%dma_wait3A_113 : memref<2048xf32, #tpu.memory_space<hbm>>) dst(%arg10 : memref<2048xf32, #tpu.memory_space<vmem>>)
      tpu.yield
    }) : () -> ()
    %mul3A_63 = arith.constant 3 : i32
    %mul3A_64 = arith.muli %select_n3A, %mul3A_63 : i32
    %add3A_65 = arith.constant 2 : i32
    %add3A_66 = arith.addi %mul3A_64, %add3A_65 : i32
    %mul3A_67 = arith.constant 2048 : i32
    %mul3A_68 = arith.muli %add3A_66, %mul3A_67 : i32
    "tpu.region"() ({
      %run_scoped3A = tpu.sem_alloc : memref<!tpu.dma_semaphore, #tpu.memory_space<semaphore_mem>>
      %dma_start3A = tpu.memref_slice %arg4[%mul3A_68] : memref<24576xf32, #tpu.memory_space<hbm>> -> memref<2048xf32, #tpu.memory_space<hbm>>
      %dma_start3A_112 = tpu.memref_slice %arg4[%mul3A_68] : memref<24576xf32, #tpu.memory_space<hbm>> -> memref<2048xf32, #tpu.memory_space<hbm>>
      tpu.enqueue_dma source(%dma_start3A_112 : memref<2048xf32, #tpu.memory_space<hbm>>) target(%arg11 : memref<2048xf32, #tpu.memory_space<vmem>>) target_semaphore(%run_scoped3A : memref<!tpu.dma_semaphore, #tpu.memory_space<semaphore_mem>>)
      %dma_wait3A = tpu.memref_slice %arg4[%mul3A_68] : memref<24576xf32, #tpu.memory_space<hbm>> -> memref<2048xf32, #tpu.memory_space<hbm>>
      %dma_wait3A_113 = tpu.memref_slice %arg4[%mul3A_68] : memref<24576xf32, #tpu.memory_space<hbm>> -> memref<2048xf32, #tpu.memory_space<hbm>>
      tpu.wait_dma2 semaphore(%run_scoped3A : memref<!tpu.dma_semaphore, #tpu.memory_space<semaphore_mem>>) src(%dma_wait3A_113 : memref<2048xf32, #tpu.memory_space<hbm>>) dst(%arg11 : memref<2048xf32, #tpu.memory_space<vmem>>)
      tpu.yield
    }) : () -> ()
    %mul3A_69 = arith.constant 3 : i32
    %mul3A_70 = arith.muli %select_n3A, %mul3A_69 : i32
    %add3A_71 = arith.constant 0 : i32
    %add3A_72 = arith.addi %mul3A_70, %add3A_71 : i32
    %mul3A_73 = arith.constant 2048 : i32
    %mul3A_74 = arith.muli %add3A_72, %mul3A_73 : i32
    %add3A_75 = arith.addi %mul3A_74, %mul3A_32 : i32
    "tpu.region"() ({
      %run_scoped3A = tpu.sem_alloc : memref<!tpu.dma_semaphore, #tpu.memory_space<semaphore_mem>>
      %dma_start3A = tpu.memref_slice %arg3[%add3A_75] : memref<24576xf32, #tpu.memory_space<hbm>> -> memref<256xf32, #tpu.memory_space<hbm>>
      %dma_start3A_112 = tpu.memref_slice %arg3[%add3A_75] : memref<24576xf32, #tpu.memory_space<hbm>> -> memref<256xf32, #tpu.memory_space<hbm>>
      tpu.enqueue_dma source(%dma_start3A_112 : memref<256xf32, #tpu.memory_space<hbm>>) target(%arg12 : memref<256xf32, #tpu.memory_space<vmem>>) target_semaphore(%run_scoped3A : memref<!tpu.dma_semaphore, #tpu.memory_space<semaphore_mem>>)
      %dma_wait3A = tpu.memref_slice %arg3[%add3A_75] : memref<24576xf32, #tpu.memory_space<hbm>> -> memref<256xf32, #tpu.memory_space<hbm>>
      %dma_wait3A_113 = tpu.memref_slice %arg3[%add3A_75] : memref<24576xf32, #tpu.memory_space<hbm>> -> memref<256xf32, #tpu.memory_space<hbm>>
      tpu.wait_dma2 semaphore(%run_scoped3A : memref<!tpu.dma_semaphore, #tpu.memory_space<semaphore_mem>>) src(%dma_wait3A_113 : memref<256xf32, #tpu.memory_space<hbm>>) dst(%arg12 : memref<256xf32, #tpu.memory_space<vmem>>)
      tpu.yield
    }) : () -> ()
    %mul3A_76 = arith.constant 3 : i32
    %mul3A_77 = arith.muli %select_n3A, %mul3A_76 : i32
    %add3A_78 = arith.constant 1 : i32
    %add3A_79 = arith.addi %mul3A_77, %add3A_78 : i32
    %mul3A_80 = arith.constant 2048 : i32
    %mul3A_81 = arith.muli %add3A_79, %mul3A_80 : i32
    %add3A_82 = arith.addi %mul3A_81, %mul3A_32 : i32
    "tpu.region"() ({
      %run_scoped3A = tpu.sem_alloc : memref<!tpu.dma_semaphore, #tpu.memory_space<semaphore_mem>>
      %dma_start3A = tpu.memref_slice %arg3[%add3A_82] : memref<24576xf32, #tpu.memory_space<hbm>> -> memref<256xf32, #tpu.memory_space<hbm>>
      %dma_start3A_112 = tpu.memref_slice %arg3[%add3A_82] : memref<24576xf32, #tpu.memory_space<hbm>> -> memref<256xf32, #tpu.memory_space<hbm>>
      tpu.enqueue_dma source(%dma_start3A_112 : memref<256xf32, #tpu.memory_space<hbm>>) target(%arg13 : memref<256xf32, #tpu.memory_space<vmem>>) target_semaphore(%run_scoped3A : memref<!tpu.dma_semaphore, #tpu.memory_space<semaphore_mem>>)
      %dma_wait3A = tpu.memref_slice %arg3[%add3A_82] : memref<24576xf32, #tpu.memory_space<hbm>> -> memref<256xf32, #tpu.memory_space<hbm>>
      %dma_wait3A_113 = tpu.memref_slice %arg3[%add3A_82] : memref<24576xf32, #tpu.memory_space<hbm>> -> memref<256xf32, #tpu.memory_space<hbm>>
      tpu.wait_dma2 semaphore(%run_scoped3A : memref<!tpu.dma_semaphore, #tpu.memory_space<semaphore_mem>>) src(%dma_wait3A_113 : memref<256xf32, #tpu.memory_space<hbm>>) dst(%arg13 : memref<256xf32, #tpu.memory_space<vmem>>)
      tpu.yield
    }) : () -> ()
    %mul3A_83 = arith.constant 3 : i32
    %mul3A_84 = arith.muli %select_n3A, %mul3A_83 : i32
    %add3A_85 = arith.constant 2 : i32
    %add3A_86 = arith.addi %mul3A_84, %add3A_85 : i32
    %mul3A_87 = arith.constant 2048 : i32
    %mul3A_88 = arith.muli %add3A_86, %mul3A_87 : i32
    %add3A_89 = arith.addi %mul3A_88, %mul3A_32 : i32
    "tpu.region"() ({
      %run_scoped3A = tpu.sem_alloc : memref<!tpu.dma_semaphore, #tpu.memory_space<semaphore_mem>>
      %dma_start3A = tpu.memref_slice %arg3[%add3A_89] : memref<24576xf32, #tpu.memory_space<hbm>> -> memref<256xf32, #tpu.memory_space<hbm>>
      %dma_start3A_112 = tpu.memref_slice %arg3[%add3A_89] : memref<24576xf32, #tpu.memory_space<hbm>> -> memref<256xf32, #tpu.memory_space<hbm>>
      tpu.enqueue_dma source(%dma_start3A_112 : memref<256xf32, #tpu.memory_space<hbm>>) target(%arg14 : memref<256xf32, #tpu.memory_space<vmem>>) target_semaphore(%run_scoped3A : memref<!tpu.dma_semaphore, #tpu.memory_space<semaphore_mem>>)
      %dma_wait3A = tpu.memref_slice %arg3[%add3A_89] : memref<24576xf32, #tpu.memory_space<hbm>> -> memref<256xf32, #tpu.memory_space<hbm>>
      %dma_wait3A_113 = tpu.memref_slice %arg3[%add3A_89] : memref<24576xf32, #tpu.memory_space<hbm>> -> memref<256xf32, #tpu.memory_space<hbm>>
      tpu.wait_dma2 semaphore(%run_scoped3A : memref<!tpu.dma_semaphore, #tpu.memory_space<semaphore_mem>>) src(%dma_wait3A_113 : memref<256xf32, #tpu.memory_space<hbm>>) dst(%arg14 : memref<256xf32, #tpu.memory_space<vmem>>)
      tpu.yield
    }) : () -> ()
    %broadcast_in_dim3A = arith.constant 0x7F800000 : f32
    %broadcast_in_dim3A_90 = vector.broadcast %broadcast_in_dim3A : f32 to vector<16xf32>
    %broadcast_in_dim3A_91 = arith.constant 0.000000e+00 : f32
    %broadcast_in_dim3A_92 = vector.broadcast %broadcast_in_dim3A_91 : f32 to vector<16xf32>
    %broadcast_in_dim3A_93 = arith.constant 1.000000e+00 : f32
    %broadcast_in_dim3A_94 = vector.broadcast %broadcast_in_dim3A_93 : f32 to vector<16xf32>
    %iota3A = tpu.iota {dimensions = array<i32: 0>} : vector<16xi32>
    %broadcast_in_dim3A_95 = arith.constant 0xFF800000 : f32
    %broadcast_in_dim3A_96 = vector.broadcast %broadcast_in_dim3A_95 : f32 to vector<16xf32>
    %scan3A = arith.constant 0 : i32
    %scan3A_97 = arith.constant 0 : i32
    %scan3A_98 = arith.constant 128 : i32
    %scan3A_99 = arith.addi %scan3A_97, %scan3A_98 : i32
    %scan3A_100 = arith.constant 1 : i32
    %scan3A_101 = scf.for %scan3A_112 = %scan3A_97 to %scan3A_99 step %scan3A_100 iter_args(%scan3A_113 = %scan3A) -> (i32)  : i32 {
      %mul3A_114 = arith.constant 2 : i32
      %mul3A_115 = arith.muli %scan3A_112, %mul3A_114 : i32
      %jit3A_116 = arith.constant 16 : i32
      %div3A_117 = arith.divsi %mul3A_115, %jit3A_116 : i32
      %sign3A_118 = arith.constant 0 : i32
      %sign3A_119 = arith.cmpi sgt, %mul3A_115, %sign3A_118 : i32
      %sign3A_120 = arith.extui %sign3A_119 : i1 to i32
      %sign3A_121 = arith.constant 0 : i32
      %sign3A_122 = arith.cmpi slt, %mul3A_115, %sign3A_121 : i32
      %sign3A_123 = arith.extui %sign3A_122 : i1 to i32
      %sign3A_124 = arith.subi %sign3A_120, %sign3A_123 : i32
      %sign3A_125 = arith.constant 0 : i32
      %sign3A_126 = arith.cmpi sgt, %jit3A_116, %sign3A_125 : i32
      %sign3A_127 = arith.extui %sign3A_126 : i1 to i32
      %sign3A_128 = arith.constant 0 : i32
      %sign3A_129 = arith.cmpi slt, %jit3A_116, %sign3A_128 : i32
      %sign3A_130 = arith.extui %sign3A_129 : i1 to i32
      %sign3A_131 = arith.subi %sign3A_127, %sign3A_130 : i32
      %ne3A_132 = arith.cmpi ne, %sign3A_124, %sign3A_131 : i32
      %rem3A_133 = arith.remsi %mul3A_115, %jit3A_116 : i32
      %ne3A_134 = arith.constant 0 : i32
      %ne3A_135 = arith.cmpi ne, %rem3A_133, %ne3A_134 : i32
      %and3A_136 = arith.andi %ne3A_132, %ne3A_135 : i1
      %sub3A_137 = arith.constant 1 : i32
      %sub3A_138 = arith.subi %div3A_117, %sub3A_137 : i32
      %select_n3A_139 = arith.select %and3A_136, %sub3A_138, %div3A_117 : i32
      %jit3A_140 = arith.constant 16 : i32
      %eq3A_141 = arith.constant 0 : i32
      %eq3A_142 = arith.cmpi eq, %jit3A_140, %eq3A_141 : i32
      %jit3A_143 = arith.constant 1 : i32
      %select_n3A_144 = arith.select %eq3A_142, %jit3A_143, %jit3A_140 : i32
      %rem3A_145 = arith.remsi %mul3A_115, %select_n3A_144 : i32
      %ne3A_146 = arith.constant 0 : i32
      %ne3A_147 = arith.cmpi ne, %rem3A_145, %ne3A_146 : i32
      %lt3A_148 = arith.constant 0 : i32
      %lt3A_149 = arith.cmpi slt, %rem3A_145, %lt3A_148 : i32
      %lt3A_150 = arith.constant 0 : i32
      %lt3A_151 = arith.cmpi slt, %select_n3A_144, %lt3A_150 : i32
      %ne3A_152 = arith.xori %lt3A_149, %lt3A_151 : i1
      %and3A_153 = arith.andi %ne3A_152, %ne3A_147 : i1
      %add3A_154 = arith.addi %rem3A_145, %select_n3A_144 : i32
      %select_n3A_155 = arith.select %and3A_153, %add3A_154, %rem3A_145 : i32
      %eq3A_156 = vector.broadcast %select_n3A_155 : i32 to vector<16xi32>
      %eq3A_157 = arith.cmpi eq, %iota3A, %eq3A_156 : vector<16xi32>
      %jit3A_158 = arith.constant 16 : i32
      %eq3A_159 = arith.constant 0 : i32
      %eq3A_160 = arith.cmpi eq, %jit3A_158, %eq3A_159 : i32
      %jit3A_161 = arith.constant 1 : i32
      %select_n3A_162 = arith.select %eq3A_160, %jit3A_161, %jit3A_158 : i32
      %rem3A_163 = arith.remsi %mul3A_115, %select_n3A_162 : i32
      %ne3A_164 = arith.constant 0 : i32
      %ne3A_165 = arith.cmpi ne, %rem3A_163, %ne3A_164 : i32
      %lt3A_166 = arith.constant 0 : i32
      %lt3A_167 = arith.cmpi slt, %rem3A_163, %lt3A_166 : i32
      %lt3A_168 = arith.constant 0 : i32
      %lt3A_169 = arith.cmpi slt, %select_n3A_162, %lt3A_168 : i32
      %ne3A_170 = arith.xori %lt3A_167, %lt3A_169 : i1
      %and3A_171 = arith.andi %ne3A_170, %ne3A_165 : i1
      %add3A_172 = arith.addi %rem3A_163, %select_n3A_162 : i32
      %select_n3A_173 = arith.select %and3A_171, %add3A_172, %rem3A_163 : i32
      %add3A_174 = arith.constant 1 : i32
      %add3A_175 = arith.addi %select_n3A_173, %add3A_174 : i32
      %eq3A_176 = vector.broadcast %add3A_175 : i32 to vector<16xi32>
      %eq3A_177 = arith.cmpi eq, %iota3A, %eq3A_176 : vector<16xi32>
      %mul3A_178 = arith.constant 16 : i32
      %mul3A_179 = arith.muli %select_n3A_139, %mul3A_178 : i32
      %get3A = arith.index_cast %mul3A_179 : i32 to index
      %get3A_180 = tpu.vector_load %arg12[%get3A] {strides = array<i32>} : memref<256xf32, #tpu.memory_space<vmem>>, vector<16xf32>,
      %select_n3A_181 = arith.select %eq3A_157, %get3A_180, %broadcast_in_dim3A_96 : vector<16xi1>, vector<16xf32>
      %xor3A = arith.constant 8 : i32
      %xor3A_182 = vector.broadcast %xor3A : i32 to vector<16xi32>
      %xor3A_183 = arith.xori %iota3A, %xor3A_182 : vector<16xi32>
      %broadcast_in_dim3A_184 = vector.shape_cast %xor3A_183 : vector<16xi32> to vector<16x1xi32>
      %gather3A = vector.shape_cast %broadcast_in_dim3A_184 : vector<16x1xi32> to vector<16xi32>
      %gather3A_185 = tpu.dynamic_gather %select_n3A_181[%gather3A] in [0] : vector<16xf32>, vector<16xi32> -> vector<16xf32>
      %max3A = arith.maximumf %select_n3A_181, %gather3A_185 : vector<16xf32>
      %xor3A_186 = arith.constant 4 : i32
      %xor3A_187 = vector.broadcast %xor3A_186 : i32 to vector<16xi32>
      %xor3A_188 = arith.xori %iota3A, %xor3A_187 : vector<16xi32>
      %broadcast_in_dim3A_189 = vector.shape_cast %xor3A_188 : vector<16xi32> to vector<16x1xi32>
      %gather3A_190 = vector.shape_cast %broadcast_in_dim3A_189 : vector<16x1xi32> to vector<16xi32>
      %gather3A_191 = tpu.dynamic_gather %max3A[%gather3A_190] in [0] : vector<16xf32>, vector<16xi32> -> vector<16xf32>
      %max3A_192 = arith.maximumf %max3A, %gather3A_191 : vector<16xf32>
      %xor3A_193 = arith.constant 2 : i32
      %xor3A_194 = vector.broadcast %xor3A_193 : i32 to vector<16xi32>
      %xor3A_195 = arith.xori %iota3A, %xor3A_194 : vector<16xi32>
      %broadcast_in_dim3A_196 = vector.shape_cast %xor3A_195 : vector<16xi32> to vector<16x1xi32>
      %gather3A_197 = vector.shape_cast %broadcast_in_dim3A_196 : vector<16x1xi32> to vector<16xi32>
      %gather3A_198 = tpu.dynamic_gather %max3A_192[%gather3A_197] in [0] : vector<16xf32>, vector<16xi32> -> vector<16xf32>
      %max3A_199 = arith.maximumf %max3A_192, %gather3A_198 : vector<16xf32>
      %xor3A_200 = arith.constant 1 : i32
      %xor3A_201 = vector.broadcast %xor3A_200 : i32 to vector<16xi32>
      %xor3A_202 = arith.xori %iota3A, %xor3A_201 : vector<16xi32>
      %broadcast_in_dim3A_203 = vector.shape_cast %xor3A_202 : vector<16xi32> to vector<16x1xi32>
      %gather3A_204 = vector.shape_cast %broadcast_in_dim3A_203 : vector<16x1xi32> to vector<16xi32>
      %gather3A_205 = tpu.dynamic_gather %max3A_199[%gather3A_204] in [0] : vector<16xf32>, vector<16xi32> -> vector<16xf32>
      %max3A_206 = arith.maximumf %max3A_199, %gather3A_205 : vector<16xf32>
      %mul3A_207 = arith.constant 16 : i32
      %mul3A_208 = arith.muli %select_n3A_139, %mul3A_207 : i32
      %get3A_209 = arith.index_cast %mul3A_208 : i32 to index
      %get3A_210 = tpu.vector_load %arg13[%get3A_209] {strides = array<i32>} : memref<256xf32, #tpu.memory_space<vmem>>, vector<16xf32>,
      %select_n3A_211 = arith.select %eq3A_157, %get3A_210, %broadcast_in_dim3A_96 : vector<16xi1>, vector<16xf32>
      %xor3A_212 = arith.constant 8 : i32
      %xor3A_213 = vector.broadcast %xor3A_212 : i32 to vector<16xi32>
      %xor3A_214 = arith.xori %iota3A, %xor3A_213 : vector<16xi32>
      %broadcast_in_dim3A_215 = vector.shape_cast %xor3A_214 : vector<16xi32> to vector<16x1xi32>
      %gather3A_216 = vector.shape_cast %broadcast_in_dim3A_215 : vector<16x1xi32> to vector<16xi32>
      %gather3A_217 = tpu.dynamic_gather %select_n3A_211[%gather3A_216] in [0] : vector<16xf32>, vector<16xi32> -> vector<16xf32>
      %max3A_218 = arith.maximumf %select_n3A_211, %gather3A_217 : vector<16xf32>
      %xor3A_219 = arith.constant 4 : i32
      %xor3A_220 = vector.broadcast %xor3A_219 : i32 to vector<16xi32>
      %xor3A_221 = arith.xori %iota3A, %xor3A_220 : vector<16xi32>
      %broadcast_in_dim3A_222 = vector.shape_cast %xor3A_221 : vector<16xi32> to vector<16x1xi32>
      %gather3A_223 = vector.shape_cast %broadcast_in_dim3A_222 : vector<16x1xi32> to vector<16xi32>
      %gather3A_224 = tpu.dynamic_gather %max3A_218[%gather3A_223] in [0] : vector<16xf32>, vector<16xi32> -> vector<16xf32>
      %max3A_225 = arith.maximumf %max3A_218, %gather3A_224 : vector<16xf32>
      %xor3A_226 = arith.constant 2 : i32
      %xor3A_227 = vector.broadcast %xor3A_226 : i32 to vector<16xi32>
      %xor3A_228 = arith.xori %iota3A, %xor3A_227 : vector<16xi32>
      %broadcast_in_dim3A_229 = vector.shape_cast %xor3A_228 : vector<16xi32> to vector<16x1xi32>
      %gather3A_230 = vector.shape_cast %broadcast_in_dim3A_229 : vector<16x1xi32> to vector<16xi32>
      %gather3A_231 = tpu.dynamic_gather %max3A_225[%gather3A_230] in [0] : vector<16xf32>, vector<16xi32> -> vector<16xf32>
      %max3A_232 = arith.maximumf %max3A_225, %gather3A_231 : vector<16xf32>
      %xor3A_233 = arith.constant 1 : i32
      %xor3A_234 = vector.broadcast %xor3A_233 : i32 to vector<16xi32>
      %xor3A_235 = arith.xori %iota3A, %xor3A_234 : vector<16xi32>
      %broadcast_in_dim3A_236 = vector.shape_cast %xor3A_235 : vector<16xi32> to vector<16x1xi32>
      %gather3A_237 = vector.shape_cast %broadcast_in_dim3A_236 : vector<16x1xi32> to vector<16xi32>
      %gather3A_238 = tpu.dynamic_gather %max3A_232[%gather3A_237] in [0] : vector<16xf32>, vector<16xi32> -> vector<16xf32>
      %max3A_239 = arith.maximumf %max3A_232, %gather3A_238 : vector<16xf32>
      %mul3A_240 = arith.constant 16 : i32
      %mul3A_241 = arith.muli %select_n3A_139, %mul3A_240 : i32
      %get3A_242 = arith.index_cast %mul3A_241 : i32 to index
      %get3A_243 = tpu.vector_load %arg14[%get3A_242] {strides = array<i32>} : memref<256xf32, #tpu.memory_space<vmem>>, vector<16xf32>,
      %select_n3A_244 = arith.select %eq3A_157, %get3A_243, %broadcast_in_dim3A_96 : vector<16xi1>, vector<16xf32>
      %xor3A_245 = arith.constant 8 : i32
      %xor3A_246 = vector.broadcast %xor3A_245 : i32 to vector<16xi32>
      %xor3A_247 = arith.xori %iota3A, %xor3A_246 : vector<16xi32>
      %broadcast_in_dim3A_248 = vector.shape_cast %xor3A_247 : vector<16xi32> to vector<16x1xi32>
      %gather3A_249 = vector.shape_cast %broadcast_in_dim3A_248 : vector<16x1xi32> to vector<16xi32>
      %gather3A_250 = tpu.dynamic_gather %select_n3A_244[%gather3A_249] in [0] : vector<16xf32>, vector<16xi32> -> vector<16xf32>
      %max3A_251 = arith.maximumf %select_n3A_244, %gather3A_250 : vector<16xf32>
      %xor3A_252 = arith.constant 4 : i32
      %xor3A_253 = vector.broadcast %xor3A_252 : i32 to vector<16xi32>
      %xor3A_254 = arith.xori %iota3A, %xor3A_253 : vector<16xi32>
      %broadcast_in_dim3A_255 = vector.shape_cast %xor3A_254 : vector<16xi32> to vector<16x1xi32>
      %gather3A_256 = vector.shape_cast %broadcast_in_dim3A_255 : vector<16x1xi32> to vector<16xi32>
      %gather3A_257 = tpu.dynamic_gather %max3A_251[%gather3A_256] in [0] : vector<16xf32>, vector<16xi32> -> vector<16xf32>
      %max3A_258 = arith.maximumf %max3A_251, %gather3A_257 : vector<16xf32>
      %xor3A_259 = arith.constant 2 : i32
      %xor3A_260 = vector.broadcast %xor3A_259 : i32 to vector<16xi32>
      %xor3A_261 = arith.xori %iota3A, %xor3A_260 : vector<16xi32>
      %broadcast_in_dim3A_262 = vector.shape_cast %xor3A_261 : vector<16xi32> to vector<16x1xi32>
      %gather3A_263 = vector.shape_cast %broadcast_in_dim3A_262 : vector<16x1xi32> to vector<16xi32>
      %gather3A_264 = tpu.dynamic_gather %max3A_258[%gather3A_263] in [0] : vector<16xf32>, vector<16xi32> -> vector<16xf32>
      %max3A_265 = arith.maximumf %max3A_258, %gather3A_264 : vector<16xf32>
      %xor3A_266 = arith.constant 1 : i32
      %xor3A_267 = vector.broadcast %xor3A_266 : i32 to vector<16xi32>
      %xor3A_268 = arith.xori %iota3A, %xor3A_267 : vector<16xi32>
      %broadcast_in_dim3A_269 = vector.shape_cast %xor3A_268 : vector<16xi32> to vector<16x1xi32>
      %gather3A_270 = vector.shape_cast %broadcast_in_dim3A_269 : vector<16x1xi32> to vector<16xi32>
      %gather3A_271 = tpu.dynamic_gather %max3A_265[%gather3A_270] in [0] : vector<16xf32>, vector<16xi32> -> vector<16xf32>
      %max3A_272 = arith.maximumf %max3A_265, %gather3A_271 : vector<16xf32>
      %mul3A_273 = arith.constant 16 : i32
      %mul3A_274 = arith.muli %select_n3A_139, %mul3A_273 : i32
      %get3A_275 = arith.index_cast %mul3A_274 : i32 to index
      %get3A_276 = tpu.vector_load %arg12[%get3A_275] {strides = array<i32>} : memref<256xf32, #tpu.memory_space<vmem>>, vector<16xf32>,
      %select_n3A_277 = arith.select %eq3A_177, %get3A_276, %broadcast_in_dim3A_96 : vector<16xi1>, vector<16xf32>
      %xor3A_278 = arith.constant 8 : i32
      %xor3A_279 = vector.broadcast %xor3A_278 : i32 to vector<16xi32>
      %xor3A_280 = arith.xori %iota3A, %xor3A_279 : vector<16xi32>
      %broadcast_in_dim3A_281 = vector.shape_cast %xor3A_280 : vector<16xi32> to vector<16x1xi32>
      %gather3A_282 = vector.shape_cast %broadcast_in_dim3A_281 : vector<16x1xi32> to vector<16xi32>
      %gather3A_283 = tpu.dynamic_gather %select_n3A_277[%gather3A_282] in [0] : vector<16xf32>, vector<16xi32> -> vector<16xf32>
      %max3A_284 = arith.maximumf %select_n3A_277, %gather3A_283 : vector<16xf32>
      %xor3A_285 = arith.constant 4 : i32
      %xor3A_286 = vector.broadcast %xor3A_285 : i32 to vector<16xi32>
      %xor3A_287 = arith.xori %iota3A, %xor3A_286 : vector<16xi32>
      %broadcast_in_dim3A_288 = vector.shape_cast %xor3A_287 : vector<16xi32> to vector<16x1xi32>
      %gather3A_289 = vector.shape_cast %broadcast_in_dim3A_288 : vector<16x1xi32> to vector<16xi32>
      %gather3A_290 = tpu.dynamic_gather %max3A_284[%gather3A_289] in [0] : vector<16xf32>, vector<16xi32> -> vector<16xf32>
      %max3A_291 = arith.maximumf %max3A_284, %gather3A_290 : vector<16xf32>
      %xor3A_292 = arith.constant 2 : i32
      %xor3A_293 = vector.broadcast %xor3A_292 : i32 to vector<16xi32>
      %xor3A_294 = arith.xori %iota3A, %xor3A_293 : vector<16xi32>
      %broadcast_in_dim3A_295 = vector.shape_cast %xor3A_294 : vector<16xi32> to vector<16x1xi32>
      %gather3A_296 = vector.shape_cast %broadcast_in_dim3A_295 : vector<16x1xi32> to vector<16xi32>
      %gather3A_297 = tpu.dynamic_gather %max3A_291[%gather3A_296] in [0] : vector<16xf32>, vector<16xi32> -> vector<16xf32>
      %max3A_298 = arith.maximumf %max3A_291, %gather3A_297 : vector<16xf32>
      %xor3A_299 = arith.constant 1 : i32
      %xor3A_300 = vector.broadcast %xor3A_299 : i32 to vector<16xi32>
      %xor3A_301 = arith.xori %iota3A, %xor3A_300 : vector<16xi32>
      %broadcast_in_dim3A_302 = vector.shape_cast %xor3A_301 : vector<16xi32> to vector<16x1xi32>
      %gather3A_303 = vector.shape_cast %broadcast_in_dim3A_302 : vector<16x1xi32> to vector<16xi32>
      %gather3A_304 = tpu.dynamic_gather %max3A_298[%gather3A_303] in [0] : vector<16xf32>, vector<16xi32> -> vector<16xf32>
      %max3A_305 = arith.maximumf %max3A_298, %gather3A_304 : vector<16xf32>
      %mul3A_306 = arith.constant 16 : i32
      %mul3A_307 = arith.muli %select_n3A_139, %mul3A_306 : i32
      %get3A_308 = arith.index_cast %mul3A_307 : i32 to index
      %get3A_309 = tpu.vector_load %arg13[%get3A_308] {strides = array<i32>} : memref<256xf32, #tpu.memory_space<vmem>>, vector<16xf32>,
      %select_n3A_310 = arith.select %eq3A_177, %get3A_309, %broadcast_in_dim3A_96 : vector<16xi1>, vector<16xf32>
      %xor3A_311 = arith.constant 8 : i32
      %xor3A_312 = vector.broadcast %xor3A_311 : i32 to vector<16xi32>
      %xor3A_313 = arith.xori %iota3A, %xor3A_312 : vector<16xi32>
      %broadcast_in_dim3A_314 = vector.shape_cast %xor3A_313 : vector<16xi32> to vector<16x1xi32>
      %gather3A_315 = vector.shape_cast %broadcast_in_dim3A_314 : vector<16x1xi32> to vector<16xi32>
      %gather3A_316 = tpu.dynamic_gather %select_n3A_310[%gather3A_315] in [0] : vector<16xf32>, vector<16xi32> -> vector<16xf32>
      %max3A_317 = arith.maximumf %select_n3A_310, %gather3A_316 : vector<16xf32>
      %xor3A_318 = arith.constant 4 : i32
      %xor3A_319 = vector.broadcast %xor3A_318 : i32 to vector<16xi32>
      %xor3A_320 = arith.xori %iota3A, %xor3A_319 : vector<16xi32>
      %broadcast_in_dim3A_321 = vector.shape_cast %xor3A_320 : vector<16xi32> to vector<16x1xi32>
      %gather3A_322 = vector.shape_cast %broadcast_in_dim3A_321 : vector<16x1xi32> to vector<16xi32>
      %gather3A_323 = tpu.dynamic_gather %max3A_317[%gather3A_322] in [0] : vector<16xf32>, vector<16xi32> -> vector<16xf32>
      %max3A_324 = arith.maximumf %max3A_317, %gather3A_323 : vector<16xf32>
      %xor3A_325 = arith.constant 2 : i32
      %xor3A_326 = vector.broadcast %xor3A_325 : i32 to vector<16xi32>
      %xor3A_327 = arith.xori %iota3A, %xor3A_326 : vector<16xi32>
      %broadcast_in_dim3A_328 = vector.shape_cast %xor3A_327 : vector<16xi32> to vector<16x1xi32>
      %gather3A_329 = vector.shape_cast %broadcast_in_dim3A_328 : vector<16x1xi32> to vector<16xi32>
      %gather3A_330 = tpu.dynamic_gather %max3A_324[%gather3A_329] in [0] : vector<16xf32>, vector<16xi32> -> vector<16xf32>
      %max3A_331 = arith.maximumf %max3A_324, %gather3A_330 : vector<16xf32>
      %xor3A_332 = arith.constant 1 : i32
      %xor3A_333 = vector.broadcast %xor3A_332 : i32 to vector<16xi32>
      %xor3A_334 = arith.xori %iota3A, %xor3A_333 : vector<16xi32>
      %broadcast_in_dim3A_335 = vector.shape_cast %xor3A_334 : vector<16xi32> to vector<16x1xi32>
      %gather3A_336 = vector.shape_cast %broadcast_in_dim3A_335 : vector<16x1xi32> to vector<16xi32>
      %gather3A_337 = tpu.dynamic_gather %max3A_331[%gather3A_336] in [0] : vector<16xf32>, vector<16xi32> -> vector<16xf32>
      %max3A_338 = arith.maximumf %max3A_331, %gather3A_337 : vector<16xf32>
      %mul3A_339 = arith.constant 16 : i32
      %mul3A_340 = arith.muli %select_n3A_139, %mul3A_339 : i32
      %get3A_341 = arith.index_cast %mul3A_340 : i32 to index
      %get3A_342 = tpu.vector_load %arg14[%get3A_341] {strides = array<i32>} : memref<256xf32, #tpu.memory_space<vmem>>, vector<16xf32>,
      %select_n3A_343 = arith.select %eq3A_177, %get3A_342, %broadcast_in_dim3A_96 : vector<16xi1>, vector<16xf32>
      %xor3A_344 = arith.constant 8 : i32
      %xor3A_345 = vector.broadcast %xor3A_344 : i32 to vector<16xi32>
      %xor3A_346 = arith.xori %iota3A, %xor3A_345 : vector<16xi32>
      %broadcast_in_dim3A_347 = vector.shape_cast %xor3A_346 : vector<16xi32> to vector<16x1xi32>
      %gather3A_348 = vector.shape_cast %broadcast_in_dim3A_347 : vector<16x1xi32> to vector<16xi32>
      %gather3A_349 = tpu.dynamic_gather %select_n3A_343[%gather3A_348] in [0] : vector<16xf32>, vector<16xi32> -> vector<16xf32>
      %max3A_350 = arith.maximumf %select_n3A_343, %gather3A_349 : vector<16xf32>
      %xor3A_351 = arith.constant 4 : i32
      %xor3A_352 = vector.broadcast %xor3A_351 : i32 to vector<16xi32>
      %xor3A_353 = arith.xori %iota3A, %xor3A_352 : vector<16xi32>
      %broadcast_in_dim3A_354 = vector.shape_cast %xor3A_353 : vector<16xi32> to vector<16x1xi32>
      %gather3A_355 = vector.shape_cast %broadcast_in_dim3A_354 : vector<16x1xi32> to vector<16xi32>
      %gather3A_356 = tpu.dynamic_gather %max3A_350[%gather3A_355] in [0] : vector<16xf32>, vector<16xi32> -> vector<16xf32>
      %max3A_357 = arith.maximumf %max3A_350, %gather3A_356 : vector<16xf32>
      %xor3A_358 = arith.constant 2 : i32
      %xor3A_359 = vector.broadcast %xor3A_358 : i32 to vector<16xi32>
      %xor3A_360 = arith.xori %iota3A, %xor3A_359 : vector<16xi32>
      %broadcast_in_dim3A_361 = vector.shape_cast %xor3A_360 : vector<16xi32> to vector<16x1xi32>
      %gather3A_362 = vector.shape_cast %broadcast_in_dim3A_361 : vector<16x1xi32> to vector<16xi32>
      %gather3A_363 = tpu.dynamic_gather %max3A_357[%gather3A_362] in [0] : vector<16xf32>, vector<16xi32> -> vector<16xf32>
      %max3A_364 = arith.maximumf %max3A_357, %gather3A_363 : vector<16xf32>
      %xor3A_365 = arith.constant 1 : i32
      %xor3A_366 = vector.broadcast %xor3A_365 : i32 to vector<16xi32>
      %xor3A_367 = arith.xori %iota3A, %xor3A_366 : vector<16xi32>
      %broadcast_in_dim3A_368 = vector.shape_cast %xor3A_367 : vector<16xi32> to vector<16x1xi32>
      %gather3A_369 = vector.shape_cast %broadcast_in_dim3A_368 : vector<16x1xi32> to vector<16xi32>
      %gather3A_370 = tpu.dynamic_gather %max3A_364[%gather3A_369] in [0] : vector<16xf32>, vector<16xi32> -> vector<16xf32>
      %max3A_371 = arith.maximumf %max3A_364, %gather3A_370 : vector<16xf32>
      %scan3A_372 = arith.constant 0 : i32
      %scan3A_373 = arith.constant 64 : i32
      %scan3A_374 = arith.addi %scan3A_372, %scan3A_373 : i32
      %scan3A_375 = arith.constant 1 : i32
      %scan3A_376:4 = scf.for %scan3A_796 = %scan3A_372 to %scan3A_374 step %scan3A_375 iter_args(%scan3A_797 = %broadcast_in_dim3A_90, %scan3A_798 = %broadcast_in_dim3A_90, %scan3A_799 = %broadcast_in_dim3A_90, %scan3A_800 = %broadcast_in_dim3A_90) -> (vector<16xf32>, vector<16xf32>, vector<16xf32>, vector<16xf32>)  : i32 {
        %mul3A_801 = arith.constant 32 : i32
        %mul3A_802 = arith.muli %scan3A_796, %mul3A_801 : i32
        %add3A_803 = arith.constant 0 : i32
        %add3A_804 = arith.addi %mul3A_802, %add3A_803 : i32
        %get3A_805 = arith.index_cast %add3A_804 : i32 to index
        %get3A_806 = tpu.vector_load %arg6[%get3A_805] {strides = array<i32>} : memref<2048xf32, #tpu.memory_space<vmem>>, vector<16xf32>,
        %get3A_807 = arith.index_cast %add3A_804 : i32 to index
        %get3A_808 = tpu.vector_load %arg7[%get3A_807] {strides = array<i32>} : memref<2048xf32, #tpu.memory_space<vmem>>, vector<16xf32>,
        %get3A_809 = arith.index_cast %add3A_804 : i32 to index
        %get3A_810 = tpu.vector_load %arg8[%get3A_809] {strides = array<i32>} : memref<2048xf32, #tpu.memory_space<vmem>>, vector<16xf32>,
        %sub3A_811 = arith.subf %get3A_806, %max3A_206 : vector<16xf32>
        %sub3A_812 = arith.subf %get3A_808, %max3A_239 : vector<16xf32>
        %sub3A_813 = arith.subf %get3A_810, %max3A_272 : vector<16xf32>
        %mul3A_814 = arith.mulf %sub3A_811, %sub3A_811 : vector<16xf32>
        %mul3A_815 = arith.mulf %sub3A_812, %sub3A_812 : vector<16xf32>
        %add3A_816 = arith.addf %mul3A_814, %mul3A_815 : vector<16xf32>
        %mul3A_817 = arith.mulf %sub3A_813, %sub3A_813 : vector<16xf32>
        %add3A_818 = arith.addf %add3A_816, %mul3A_817 : vector<16xf32>
        %swap3A_819 = arith.index_cast %add3A_804 : i32 to index
        %swap3A_820 = tpu.vector_load %arg15[%swap3A_819] {strides = array<i32>} : memref<2048xf32, #tpu.memory_space<vmem>>, vector<16xf32>,
        tpu.vector_store %arg15[%swap3A_819], %add3A_818 {strides = array<i32>} : memref<2048xf32, #tpu.memory_space<vmem>>, vector<16xf32>,
        %sub3A_821 = arith.subf %get3A_806, %max3A_305 : vector<16xf32>
        %sub3A_822 = arith.subf %get3A_808, %max3A_338 : vector<16xf32>
        %sub3A_823 = arith.subf %get3A_810, %max3A_371 : vector<16xf32>
        %mul3A_824 = arith.mulf %sub3A_821, %sub3A_821 : vector<16xf32>
        %mul3A_825 = arith.mulf %sub3A_822, %sub3A_822 : vector<16xf32>
        %add3A_826 = arith.addf %mul3A_824, %mul3A_825 : vector<16xf32>
        %mul3A_827 = arith.mulf %sub3A_823, %sub3A_823 : vector<16xf32>
        %add3A_828 = arith.addf %add3A_826, %mul3A_827 : vector<16xf32>
        %swap3A_829 = arith.index_cast %add3A_804 : i32 to index
        %swap3A_830 = tpu.vector_load %arg16[%swap3A_829] {strides = array<i32>} : memref<2048xf32, #tpu.memory_space<vmem>>, vector<16xf32>,
        tpu.vector_store %arg16[%swap3A_829], %add3A_828 {strides = array<i32>} : memref<2048xf32, #tpu.memory_space<vmem>>, vector<16xf32>,
        %max3A_831 = arith.maximumf %scan3A_797, %add3A_818 : vector<16xf32>
        %min3A_832 = arith.minimumf %scan3A_797, %add3A_818 : vector<16xf32>
        %min3A_833 = arith.minimumf %scan3A_798, %max3A_831 : vector<16xf32>
        %max3A_834 = arith.maximumf %scan3A_799, %add3A_828 : vector<16xf32>
        %min3A_835 = arith.minimumf %scan3A_799, %add3A_828 : vector<16xf32>
        %min3A_836 = arith.minimumf %scan3A_800, %max3A_834 : vector<16xf32>
        %add3A_837 = arith.constant 16 : i32
        %add3A_838 = arith.addi %mul3A_802, %add3A_837 : i32
        %get3A_839 = arith.index_cast %add3A_838 : i32 to index
        %get3A_840 = tpu.vector_load %arg6[%get3A_839] {strides = array<i32>} : memref<2048xf32, #tpu.memory_space<vmem>>, vector<16xf32>,
        %get3A_841 = arith.index_cast %add3A_838 : i32 to index
        %get3A_842 = tpu.vector_load %arg7[%get3A_841] {strides = array<i32>} : memref<2048xf32, #tpu.memory_space<vmem>>, vector<16xf32>,
        %get3A_843 = arith.index_cast %add3A_838 : i32 to index
        %get3A_844 = tpu.vector_load %arg8[%get3A_843] {strides = array<i32>} : memref<2048xf32, #tpu.memory_space<vmem>>, vector<16xf32>,
        %sub3A_845 = arith.subf %get3A_840, %max3A_206 : vector<16xf32>
        %sub3A_846 = arith.subf %get3A_842, %max3A_239 : vector<16xf32>
        %sub3A_847 = arith.subf %get3A_844, %max3A_272 : vector<16xf32>
        %mul3A_848 = arith.mulf %sub3A_845, %sub3A_845 : vector<16xf32>
        %mul3A_849 = arith.mulf %sub3A_846, %sub3A_846 : vector<16xf32>
        %add3A_850 = arith.addf %mul3A_848, %mul3A_849 : vector<16xf32>
        %mul3A_851 = arith.mulf %sub3A_847, %sub3A_847 : vector<16xf32>
        %add3A_852 = arith.addf %add3A_850, %mul3A_851 : vector<16xf32>
        %swap3A_853 = arith.index_cast %add3A_838 : i32 to index
        %swap3A_854 = tpu.vector_load %arg15[%swap3A_853] {strides = array<i32>} : memref<2048xf32, #tpu.memory_space<vmem>>, vector<16xf32>,
        tpu.vector_store %arg15[%swap3A_853], %add3A_852 {strides = array<i32>} : memref<2048xf32, #tpu.memory_space<vmem>>, vector<16xf32>,
        %sub3A_855 = arith.subf %get3A_840, %max3A_305 : vector<16xf32>
        %sub3A_856 = arith.subf %get3A_842, %max3A_338 : vector<16xf32>
        %sub3A_857 = arith.subf %get3A_844, %max3A_371 : vector<16xf32>
        %mul3A_858 = arith.mulf %sub3A_855, %sub3A_855 : vector<16xf32>
        %mul3A_859 = arith.mulf %sub3A_856, %sub3A_856 : vector<16xf32>
        %add3A_860 = arith.addf %mul3A_858, %mul3A_859 : vector<16xf32>
        %mul3A_861 = arith.mulf %sub3A_857, %sub3A_857 : vector<16xf32>
        %add3A_862 = arith.addf %add3A_860, %mul3A_861 : vector<16xf32>
        %swap3A_863 = arith.index_cast %add3A_838 : i32 to index
        %swap3A_864 = tpu.vector_load %arg16[%swap3A_863] {strides = array<i32>} : memref<2048xf32, #tpu.memory_space<vmem>>, vector<16xf32>,
        tpu.vector_store %arg16[%swap3A_863], %add3A_862 {strides = array<i32>} : memref<2048xf32, #tpu.memory_space<vmem>>, vector<16xf32>,
        %max3A_865 = arith.maximumf %min3A_832, %add3A_852 : vector<16xf32>
        %min3A_866 = arith.minimumf %min3A_832, %add3A_852 : vector<16xf32>
        %min3A_867 = arith.minimumf %min3A_833, %max3A_865 : vector<16xf32>
        %max3A_868 = arith.maximumf %min3A_835, %add3A_862 : vector<16xf32>
        %min3A_869 = arith.minimumf %min3A_835, %add3A_862 : vector<16xf32>
        %min3A_870 = arith.minimumf %min3A_836, %max3A_868 : vector<16xf32>
        scf.yield %min3A_866, %min3A_867, %min3A_869, %min3A_870 : vector<16xf32>, vector<16xf32>, vector<16xf32>, vector<16xf32>
      }
      %scan3A_377 = arith.constant 64 : i32
      %xor3A_378 = arith.constant 8 : i32
      %xor3A_379 = vector.broadcast %xor3A_378 : i32 to vector<16xi32>
      %xor3A_380 = arith.xori %iota3A, %xor3A_379 : vector<16xi32>
      %broadcast_in_dim3A_381 = vector.shape_cast %xor3A_380 : vector<16xi32> to vector<16x1xi32>
      %gather3A_382 = vector.shape_cast %broadcast_in_dim3A_381 : vector<16x1xi32> to vector<16xi32>
      %gather3A_383 = tpu.dynamic_gather %scan3A_376#0[%gather3A_382] in [0] : vector<16xf32>, vector<16xi32> -> vector<16xf32>
      %min3A = arith.minimumf %scan3A_376#0, %gather3A_383 : vector<16xf32>
      %xor3A_384 = arith.constant 4 : i32
      %xor3A_385 = vector.broadcast %xor3A_384 : i32 to vector<16xi32>
      %xor3A_386 = arith.xori %iota3A, %xor3A_385 : vector<16xi32>
      %broadcast_in_dim3A_387 = vector.shape_cast %xor3A_386 : vector<16xi32> to vector<16x1xi32>
      %gather3A_388 = vector.shape_cast %broadcast_in_dim3A_387 : vector<16x1xi32> to vector<16xi32>
      %gather3A_389 = tpu.dynamic_gather %min3A[%gather3A_388] in [0] : vector<16xf32>, vector<16xi32> -> vector<16xf32>
      %min3A_390 = arith.minimumf %min3A, %gather3A_389 : vector<16xf32>
      %xor3A_391 = arith.constant 2 : i32
      %xor3A_392 = vector.broadcast %xor3A_391 : i32 to vector<16xi32>
      %xor3A_393 = arith.xori %iota3A, %xor3A_392 : vector<16xi32>
      %broadcast_in_dim3A_394 = vector.shape_cast %xor3A_393 : vector<16xi32> to vector<16x1xi32>
      %gather3A_395 = vector.shape_cast %broadcast_in_dim3A_394 : vector<16x1xi32> to vector<16xi32>
      %gather3A_396 = tpu.dynamic_gather %min3A_390[%gather3A_395] in [0] : vector<16xf32>, vector<16xi32> -> vector<16xf32>
      %min3A_397 = arith.minimumf %min3A_390, %gather3A_396 : vector<16xf32>
      %xor3A_398 = arith.constant 1 : i32
      %xor3A_399 = vector.broadcast %xor3A_398 : i32 to vector<16xi32>
      %xor3A_400 = arith.xori %iota3A, %xor3A_399 : vector<16xi32>
      %broadcast_in_dim3A_401 = vector.shape_cast %xor3A_400 : vector<16xi32> to vector<16x1xi32>
      %gather3A_402 = vector.shape_cast %broadcast_in_dim3A_401 : vector<16x1xi32> to vector<16xi32>
      %gather3A_403 = tpu.dynamic_gather %min3A_397[%gather3A_402] in [0] : vector<16xf32>, vector<16xi32> -> vector<16xf32>
      %min3A_404 = arith.minimumf %min3A_397, %gather3A_403 : vector<16xf32>
      %eq3A_405 = arith.cmpf oeq, %scan3A_376#0, %min3A_404 : vector<16xf32>
      %select_n3A_406 = arith.select %eq3A_405, %scan3A_376#1, %scan3A_376#0 : vector<16xi1>, vector<16xf32>
      %select_n3A_407 = arith.select %eq3A_405, %broadcast_in_dim3A_90, %scan3A_376#1 : vector<16xi1>, vector<16xf32>
      %xor3A_408 = arith.constant 8 : i32
      %xor3A_409 = vector.broadcast %xor3A_408 : i32 to vector<16xi32>
      %xor3A_410 = arith.xori %iota3A, %xor3A_409 : vector<16xi32>
      %broadcast_in_dim3A_411 = vector.shape_cast %xor3A_410 : vector<16xi32> to vector<16x1xi32>
      %gather3A_412 = vector.shape_cast %broadcast_in_dim3A_411 : vector<16x1xi32> to vector<16xi32>
      %gather3A_413 = tpu.dynamic_gather %select_n3A_406[%gather3A_412] in [0] : vector<16xf32>, vector<16xi32> -> vector<16xf32>
      %min3A_414 = arith.minimumf %select_n3A_406, %gather3A_413 : vector<16xf32>
      %xor3A_415 = arith.constant 4 : i32
      %xor3A_416 = vector.broadcast %xor3A_415 : i32 to vector<16xi32>
      %xor3A_417 = arith.xori %iota3A, %xor3A_416 : vector<16xi32>
      %broadcast_in_dim3A_418 = vector.shape_cast %xor3A_417 : vector<16xi32> to vector<16x1xi32>
      %gather3A_419 = vector.shape_cast %broadcast_in_dim3A_418 : vector<16x1xi32> to vector<16xi32>
      %gather3A_420 = tpu.dynamic_gather %min3A_414[%gather3A_419] in [0] : vector<16xf32>, vector<16xi32> -> vector<16xf32>
      %min3A_421 = arith.minimumf %min3A_414, %gather3A_420 : vector<16xf32>
      %xor3A_422 = arith.constant 2 : i32
      %xor3A_423 = vector.broadcast %xor3A_422 : i32 to vector<16xi32>
      %xor3A_424 = arith.xori %iota3A, %xor3A_423 : vector<16xi32>
      %broadcast_in_dim3A_425 = vector.shape_cast %xor3A_424 : vector<16xi32> to vector<16x1xi32>
      %gather3A_426 = vector.shape_cast %broadcast_in_dim3A_425 : vector<16x1xi32> to vector<16xi32>
      %gather3A_427 = tpu.dynamic_gather %min3A_421[%gather3A_426] in [0] : vector<16xf32>, vector<16xi32> -> vector<16xf32>
      %min3A_428 = arith.minimumf %min3A_421, %gather3A_427 : vector<16xf32>
      %xor3A_429 = arith.constant 1 : i32
      %xor3A_430 = vector.broadcast %xor3A_429 : i32 to vector<16xi32>
      %xor3A_431 = arith.xori %iota3A, %xor3A_430 : vector<16xi32>
      %broadcast_in_dim3A_432 = vector.shape_cast %xor3A_431 : vector<16xi32> to vector<16x1xi32>
      %gather3A_433 = vector.shape_cast %broadcast_in_dim3A_432 : vector<16x1xi32> to vector<16xi32>
      %gather3A_434 = tpu.dynamic_gather %min3A_428[%gather3A_433] in [0] : vector<16xf32>, vector<16xi32> -> vector<16xf32>
      %min3A_435 = arith.minimumf %min3A_428, %gather3A_434 : vector<16xf32>
      %eq3A_436 = arith.cmpf oeq, %select_n3A_406, %min3A_435 : vector<16xf32>
      %select_n3A_437 = arith.select %eq3A_436, %select_n3A_407, %select_n3A_406 : vector<16xi1>, vector<16xf32>
      %xor3A_438 = arith.constant 8 : i32
      %xor3A_439 = vector.broadcast %xor3A_438 : i32 to vector<16xi32>
      %xor3A_440 = arith.xori %iota3A, %xor3A_439 : vector<16xi32>
      %broadcast_in_dim3A_441 = vector.shape_cast %xor3A_440 : vector<16xi32> to vector<16x1xi32>
      %gather3A_442 = vector.shape_cast %broadcast_in_dim3A_441 : vector<16x1xi32> to vector<16xi32>
      %gather3A_443 = tpu.dynamic_gather %select_n3A_437[%gather3A_442] in [0] : vector<16xf32>, vector<16xi32> -> vector<16xf32>
      %min3A_444 = arith.minimumf %select_n3A_437, %gather3A_443 : vector<16xf32>
      %xor3A_445 = arith.constant 4 : i32
      %xor3A_446 = vector.broadcast %xor3A_445 : i32 to vector<16xi32>
      %xor3A_447 = arith.xori %iota3A, %xor3A_446 : vector<16xi32>
      %broadcast_in_dim3A_448 = vector.shape_cast %xor3A_447 : vector<16xi32> to vector<16x1xi32>
      %gather3A_449 = vector.shape_cast %broadcast_in_dim3A_448 : vector<16x1xi32> to vector<16xi32>
      %gather3A_450 = tpu.dynamic_gather %min3A_444[%gather3A_449] in [0] : vector<16xf32>, vector<16xi32> -> vector<16xf32>
      %min3A_451 = arith.minimumf %min3A_444, %gather3A_450 : vector<16xf32>
      %xor3A_452 = arith.constant 2 : i32
      %xor3A_453 = vector.broadcast %xor3A_452 : i32 to vector<16xi32>
      %xor3A_454 = arith.xori %iota3A, %xor3A_453 : vector<16xi32>
      %broadcast_in_dim3A_455 = vector.shape_cast %xor3A_454 : vector<16xi32> to vector<16x1xi32>
      %gather3A_456 = vector.shape_cast %broadcast_in_dim3A_455 : vector<16x1xi32> to vector<16xi32>
      %gather3A_457 = tpu.dynamic_gather %min3A_451[%gather3A_456] in [0] : vector<16xf32>, vector<16xi32> -> vector<16xf32>
      %min3A_458 = arith.minimumf %min3A_451, %gather3A_457 : vector<16xf32>
      %xor3A_459 = arith.constant 1 : i32
      %xor3A_460 = vector.broadcast %xor3A_459 : i32 to vector<16xi32>
      %xor3A_461 = arith.xori %iota3A, %xor3A_460 : vector<16xi32>
      %broadcast_in_dim3A_462 = vector.shape_cast %xor3A_461 : vector<16xi32> to vector<16x1xi32>
      %gather3A_463 = vector.shape_cast %broadcast_in_dim3A_462 : vector<16x1xi32> to vector<16xi32>
      %gather3A_464 = tpu.dynamic_gather %min3A_458[%gather3A_463] in [0] : vector<16xf32>, vector<16xi32> -> vector<16xf32>
      %min3A_465 = arith.minimumf %min3A_458, %gather3A_464 : vector<16xf32>
      %xor3A_466 = arith.constant 8 : i32
      %xor3A_467 = vector.broadcast %xor3A_466 : i32 to vector<16xi32>
      %xor3A_468 = arith.xori %iota3A, %xor3A_467 : vector<16xi32>
      %broadcast_in_dim3A_469 = vector.shape_cast %xor3A_468 : vector<16xi32> to vector<16x1xi32>
      %gather3A_470 = vector.shape_cast %broadcast_in_dim3A_469 : vector<16x1xi32> to vector<16xi32>
      %gather3A_471 = tpu.dynamic_gather %scan3A_376#2[%gather3A_470] in [0] : vector<16xf32>, vector<16xi32> -> vector<16xf32>
      %min3A_472 = arith.minimumf %scan3A_376#2, %gather3A_471 : vector<16xf32>
      %xor3A_473 = arith.constant 4 : i32
      %xor3A_474 = vector.broadcast %xor3A_473 : i32 to vector<16xi32>
      %xor3A_475 = arith.xori %iota3A, %xor3A_474 : vector<16xi32>
      %broadcast_in_dim3A_476 = vector.shape_cast %xor3A_475 : vector<16xi32> to vector<16x1xi32>
      %gather3A_477 = vector.shape_cast %broadcast_in_dim3A_476 : vector<16x1xi32> to vector<16xi32>
      %gather3A_478 = tpu.dynamic_gather %min3A_472[%gather3A_477] in [0] : vector<16xf32>, vector<16xi32> -> vector<16xf32>
      %min3A_479 = arith.minimumf %min3A_472, %gather3A_478 : vector<16xf32>
      %xor3A_480 = arith.constant 2 : i32
      %xor3A_481 = vector.broadcast %xor3A_480 : i32 to vector<16xi32>
      %xor3A_482 = arith.xori %iota3A, %xor3A_481 : vector<16xi32>
      %broadcast_in_dim3A_483 = vector.shape_cast %xor3A_482 : vector<16xi32> to vector<16x1xi32>
      %gather3A_484 = vector.shape_cast %broadcast_in_dim3A_483 : vector<16x1xi32> to vector<16xi32>
      %gather3A_485 = tpu.dynamic_gather %min3A_479[%gather3A_484] in [0] : vector<16xf32>, vector<16xi32> -> vector<16xf32>
      %min3A_486 = arith.minimumf %min3A_479, %gather3A_485 : vector<16xf32>
      %xor3A_487 = arith.constant 1 : i32
      %xor3A_488 = vector.broadcast %xor3A_487 : i32 to vector<16xi32>
      %xor3A_489 = arith.xori %iota3A, %xor3A_488 : vector<16xi32>
      %broadcast_in_dim3A_490 = vector.shape_cast %xor3A_489 : vector<16xi32> to vector<16x1xi32>
      %gather3A_491 = vector.shape_cast %broadcast_in_dim3A_490 : vector<16x1xi32> to vector<16xi32>
      %gather3A_492 = tpu.dynamic_gather %min3A_486[%gather3A_491] in [0] : vector<16xf32>, vector<16xi32> -> vector<16xf32>
      %min3A_493 = arith.minimumf %min3A_486, %gather3A_492 : vector<16xf32>
      %eq3A_494 = arith.cmpf oeq, %scan3A_376#2, %min3A_493 : vector<16xf32>
      %select_n3A_495 = arith.select %eq3A_494, %scan3A_376#3, %scan3A_376#2 : vector<16xi1>, vector<16xf32>
      %select_n3A_496 = arith.select %eq3A_494, %broadcast_in_dim3A_90, %scan3A_376#3 : vector<16xi1>, vector<16xf32>
      %xor3A_497 = arith.constant 8 : i32
      %xor3A_498 = vector.broadcast %xor3A_497 : i32 to vector<16xi32>
      %xor3A_499 = arith.xori %iota3A, %xor3A_498 : vector<16xi32>
      %broadcast_in_dim3A_500 = vector.shape_cast %xor3A_499 : vector<16xi32> to vector<16x1xi32>
      %gather3A_501 = vector.shape_cast %broadcast_in_dim3A_500 : vector<16x1xi32> to vector<16xi32>
      %gather3A_502 = tpu.dynamic_gather %select_n3A_495[%gather3A_501] in [0] : vector<16xf32>, vector<16xi32> -> vector<16xf32>
      %min3A_503 = arith.minimumf %select_n3A_495, %gather3A_502 : vector<16xf32>
      %xor3A_504 = arith.constant 4 : i32
      %xor3A_505 = vector.broadcast %xor3A_504 : i32 to vector<16xi32>
      %xor3A_506 = arith.xori %iota3A, %xor3A_505 : vector<16xi32>
      %broadcast_in_dim3A_507 = vector.shape_cast %xor3A_506 : vector<16xi32> to vector<16x1xi32>
      %gather3A_508 = vector.shape_cast %broadcast_in_dim3A_507 : vector<16x1xi32> to vector<16xi32>
      %gather3A_509 = tpu.dynamic_gather %min3A_503[%gather3A_508] in [0] : vector<16xf32>, vector<16xi32> -> vector<16xf32>
      %min3A_510 = arith.minimumf %min3A_503, %gather3A_509 : vector<16xf32>
      %xor3A_511 = arith.constant 2 : i32
      %xor3A_512 = vector.broadcast %xor3A_511 : i32 to vector<16xi32>
      %xor3A_513 = arith.xori %iota3A, %xor3A_512 : vector<16xi32>
      %broadcast_in_dim3A_514 = vector.shape_cast %xor3A_513 : vector<16xi32> to vector<16x1xi32>
      %gather3A_515 = vector.shape_cast %broadcast_in_dim3A_514 : vector<16x1xi32> to vector<16xi32>
      %gather3A_516 = tpu.dynamic_gather %min3A_510[%gather3A_515] in [0] : vector<16xf32>, vector<16xi32> -> vector<16xf32>
      %min3A_517 = arith.minimumf %min3A_510, %gather3A_516 : vector<16xf32>
      %xor3A_518 = arith.constant 1 : i32
      %xor3A_519 = vector.broadcast %xor3A_518 : i32 to vector<16xi32>
      %xor3A_520 = arith.xori %iota3A, %xor3A_519 : vector<16xi32>
      %broadcast_in_dim3A_521 = vector.shape_cast %xor3A_520 : vector<16xi32> to vector<16x1xi32>
      %gather3A_522 = vector.shape_cast %broadcast_in_dim3A_521 : vector<16x1xi32> to vector<16xi32>
      %gather3A_523 = tpu.dynamic_gather %min3A_517[%gather3A_522] in [0] : vector<16xf32>, vector<16xi32> -> vector<16xf32>
      %min3A_524 = arith.minimumf %min3A_517, %gather3A_523 : vector<16xf32>
      %eq3A_525 = arith.cmpf oeq, %select_n3A_495, %min3A_524 : vector<16xf32>
      %select_n3A_526 = arith.select %eq3A_525, %select_n3A_496, %select_n3A_495 : vector<16xi1>, vector<16xf32>
      %xor3A_527 = arith.constant 8 : i32
      %xor3A_528 = vector.broadcast %xor3A_527 : i32 to vector<16xi32>
      %xor3A_529 = arith.xori %iota3A, %xor3A_528 : vector<16xi32>
      %broadcast_in_dim3A_530 = vector.shape_cast %xor3A_529 : vector<16xi32> to vector<16x1xi32>
      %gather3A_531 = vector.shape_cast %broadcast_in_dim3A_530 : vector<16x1xi32> to vector<16xi32>
      %gather3A_532 = tpu.dynamic_gather %select_n3A_526[%gather3A_531] in [0] : vector<16xf32>, vector<16xi32> -> vector<16xf32>
      %min3A_533 = arith.minimumf %select_n3A_526, %gather3A_532 : vector<16xf32>
      %xor3A_534 = arith.constant 4 : i32
      %xor3A_535 = vector.broadcast %xor3A_534 : i32 to vector<16xi32>
      %xor3A_536 = arith.xori %iota3A, %xor3A_535 : vector<16xi32>
      %broadcast_in_dim3A_537 = vector.shape_cast %xor3A_536 : vector<16xi32> to vector<16x1xi32>
      %gather3A_538 = vector.shape_cast %broadcast_in_dim3A_537 : vector<16x1xi32> to vector<16xi32>
      %gather3A_539 = tpu.dynamic_gather %min3A_533[%gather3A_538] in [0] : vector<16xf32>, vector<16xi32> -> vector<16xf32>
      %min3A_540 = arith.minimumf %min3A_533, %gather3A_539 : vector<16xf32>
      %xor3A_541 = arith.constant 2 : i32
      %xor3A_542 = vector.broadcast %xor3A_541 : i32 to vector<16xi32>
      %xor3A_543 = arith.xori %iota3A, %xor3A_542 : vector<16xi32>
      %broadcast_in_dim3A_544 = vector.shape_cast %xor3A_543 : vector<16xi32> to vector<16x1xi32>
      %gather3A_545 = vector.shape_cast %broadcast_in_dim3A_544 : vector<16x1xi32> to vector<16xi32>
      %gather3A_546 = tpu.dynamic_gather %min3A_540[%gather3A_545] in [0] : vector<16xf32>, vector<16xi32> -> vector<16xf32>
      %min3A_547 = arith.minimumf %min3A_540, %gather3A_546 : vector<16xf32>
      %xor3A_548 = arith.constant 1 : i32
      %xor3A_549 = vector.broadcast %xor3A_548 : i32 to vector<16xi32>
      %xor3A_550 = arith.xori %iota3A, %xor3A_549 : vector<16xi32>
      %broadcast_in_dim3A_551 = vector.shape_cast %xor3A_550 : vector<16xi32> to vector<16x1xi32>
      %gather3A_552 = vector.shape_cast %broadcast_in_dim3A_551 : vector<16x1xi32> to vector<16xi32>
      %gather3A_553 = tpu.dynamic_gather %min3A_547[%gather3A_552] in [0] : vector<16xf32>, vector<16xi32> -> vector<16xf32>
      %min3A_554 = arith.minimumf %min3A_547, %gather3A_553 : vector<16xf32>
      %broadcast_in_dim3A_555 = arith.constant 0 : i32
      %broadcast_in_dim3A_556 = vector.broadcast %broadcast_in_dim3A_555 : i32 to vector<16xi32>
      %scan3A_557 = arith.constant 0 : i32
      %scan3A_558 = arith.constant 64 : i32
      %scan3A_559 = arith.addi %scan3A_557, %scan3A_558 : i32
      %scan3A_560 = arith.constant 1 : i32
      %scan3A_561:8 = scf.for %scan3A_796 = %scan3A_557 to %scan3A_559 step %scan3A_560 iter_args(%scan3A_797 = %broadcast_in_dim3A_92, %scan3A_798 = %broadcast_in_dim3A_92, %scan3A_799 = %broadcast_in_dim3A_92, %scan3A_800 = %broadcast_in_dim3A_556, %scan3A_801 = %broadcast_in_dim3A_92, %scan3A_802 = %broadcast_in_dim3A_92, %scan3A_803 = %broadcast_in_dim3A_92, %scan3A_804 = %broadcast_in_dim3A_556) -> (vector<16xf32>, vector<16xf32>, vector<16xf32>, vector<16xi32>, vector<16xf32>, vector<16xf32>, vector<16xf32>, vector<16xi32>)  : i32 {
        %mul3A_805 = arith.constant 32 : i32
        %mul3A_806 = arith.muli %scan3A_796, %mul3A_805 : i32
        %add3A_807 = arith.constant 0 : i32
        %add3A_808 = arith.addi %mul3A_806, %add3A_807 : i32
        %get3A_809 = arith.index_cast %add3A_808 : i32 to index
        %get3A_810 = tpu.vector_load %arg9[%get3A_809] {strides = array<i32>} : memref<2048xf32, #tpu.memory_space<vmem>>, vector<16xf32>,
        %get3A_811 = arith.index_cast %add3A_808 : i32 to index
        %get3A_812 = tpu.vector_load %arg10[%get3A_811] {strides = array<i32>} : memref<2048xf32, #tpu.memory_space<vmem>>, vector<16xf32>,
        %get3A_813 = arith.index_cast %add3A_808 : i32 to index
        %get3A_814 = tpu.vector_load %arg11[%get3A_813] {strides = array<i32>} : memref<2048xf32, #tpu.memory_space<vmem>>, vector<16xf32>,
        %get3A_815 = arith.index_cast %add3A_808 : i32 to index
        %get3A_816 = tpu.vector_load %arg15[%get3A_815] {strides = array<i32>} : memref<2048xf32, #tpu.memory_space<vmem>>, vector<16xf32>,
        %le3A = arith.cmpf ole, %get3A_816, %min3A_465 : vector<16xf32>
        %select_n3A_817 = arith.select %le3A, %get3A_810, %broadcast_in_dim3A_92 : vector<16xi1>, vector<16xf32>
        %add3A_818 = arith.addf %scan3A_797, %select_n3A_817 : vector<16xf32>
        %select_n3A_819 = arith.select %le3A, %get3A_812, %broadcast_in_dim3A_92 : vector<16xi1>, vector<16xf32>
        %add3A_820 = arith.addf %scan3A_798, %select_n3A_819 : vector<16xf32>
        %select_n3A_821 = arith.select %le3A, %get3A_814, %broadcast_in_dim3A_92 : vector<16xi1>, vector<16xf32>
        %add3A_822 = arith.addf %scan3A_799, %select_n3A_821 : vector<16xf32>
        %all_reduce_population_count3A = tpu.all_reduce %le3A {dim = 0 : i64, kind = #tpu.reduction_kind<sum>} : vector<16xi1> -> vector<16xi32>
        %add3A_823 = arith.addi %scan3A_800, %all_reduce_population_count3A : vector<16xi32>
        %get3A_824 = arith.index_cast %add3A_808 : i32 to index
        %get3A_825 = tpu.vector_load %arg16[%get3A_824] {strides = array<i32>} : memref<2048xf32, #tpu.memory_space<vmem>>, vector<16xf32>,
        %le3A_826 = arith.cmpf ole, %get3A_825, %min3A_554 : vector<16xf32>
        %select_n3A_827 = arith.select %le3A_826, %get3A_810, %broadcast_in_dim3A_92 : vector<16xi1>, vector<16xf32>
        %add3A_828 = arith.addf %scan3A_801, %select_n3A_827 : vector<16xf32>
        %select_n3A_829 = arith.select %le3A_826, %get3A_812, %broadcast_in_dim3A_92 : vector<16xi1>, vector<16xf32>
        %add3A_830 = arith.addf %scan3A_802, %select_n3A_829 : vector<16xf32>
        %select_n3A_831 = arith.select %le3A_826, %get3A_814, %broadcast_in_dim3A_92 : vector<16xi1>, vector<16xf32>
        %add3A_832 = arith.addf %scan3A_803, %select_n3A_831 : vector<16xf32>
        %all_reduce_population_count3A_833 = tpu.all_reduce %le3A_826 {dim = 0 : i64, kind = #tpu.reduction_kind<sum>} : vector<16xi1> -> vector<16xi32>
        %add3A_834 = arith.addi %scan3A_804, %all_reduce_population_count3A_833 : vector<16xi32>
        %add3A_835 = arith.constant 16 : i32
        %add3A_836 = arith.addi %mul3A_806, %add3A_835 : i32
        %get3A_837 = arith.index_cast %add3A_836 : i32 to index
        %get3A_838 = tpu.vector_load %arg9[%get3A_837] {strides = array<i32>} : memref<2048xf32, #tpu.memory_space<vmem>>, vector<16xf32>,
        %get3A_839 = arith.index_cast %add3A_836 : i32 to index
        %get3A_840 = tpu.vector_load %arg10[%get3A_839] {strides = array<i32>} : memref<2048xf32, #tpu.memory_space<vmem>>, vector<16xf32>,
        %get3A_841 = arith.index_cast %add3A_836 : i32 to index
        %get3A_842 = tpu.vector_load %arg11[%get3A_841] {strides = array<i32>} : memref<2048xf32, #tpu.memory_space<vmem>>, vector<16xf32>,
        %get3A_843 = arith.index_cast %add3A_836 : i32 to index
        %get3A_844 = tpu.vector_load %arg15[%get3A_843] {strides = array<i32>} : memref<2048xf32, #tpu.memory_space<vmem>>, vector<16xf32>,
        %le3A_845 = arith.cmpf ole, %get3A_844, %min3A_465 : vector<16xf32>
        %select_n3A_846 = arith.select %le3A_845, %get3A_838, %broadcast_in_dim3A_92 : vector<16xi1>, vector<16xf32>
        %add3A_847 = arith.addf %add3A_818, %select_n3A_846 : vector<16xf32>
        %select_n3A_848 = arith.select %le3A_845, %get3A_840, %broadcast_in_dim3A_92 : vector<16xi1>, vector<16xf32>
        %add3A_849 = arith.addf %add3A_820, %select_n3A_848 : vector<16xf32>
        %select_n3A_850 = arith.select %le3A_845, %get3A_842, %broadcast_in_dim3A_92 : vector<16xi1>, vector<16xf32>
        %add3A_851 = arith.addf %add3A_822, %select_n3A_850 : vector<16xf32>
        %all_reduce_population_count3A_852 = tpu.all_reduce %le3A_845 {dim = 0 : i64, kind = #tpu.reduction_kind<sum>} : vector<16xi1> -> vector<16xi32>
        %add3A_853 = arith.addi %add3A_823, %all_reduce_population_count3A_852 : vector<16xi32>
        %get3A_854 = arith.index_cast %add3A_836 : i32 to index
        %get3A_855 = tpu.vector_load %arg16[%get3A_854] {strides = array<i32>} : memref<2048xf32, #tpu.memory_space<vmem>>, vector<16xf32>,
        %le3A_856 = arith.cmpf ole, %get3A_855, %min3A_554 : vector<16xf32>
        %select_n3A_857 = arith.select %le3A_856, %get3A_838, %broadcast_in_dim3A_92 : vector<16xi1>, vector<16xf32>
        %add3A_858 = arith.addf %add3A_828, %select_n3A_857 : vector<16xf32>
        %select_n3A_859 = arith.select %le3A_856, %get3A_840, %broadcast_in_dim3A_92 : vector<16xi1>, vector<16xf32>
        %add3A_860 = arith.addf %add3A_830, %select_n3A_859 : vector<16xf32>
        %select_n3A_861 = arith.select %le3A_856, %get3A_842, %broadcast_in_dim3A_92 : vector<16xi1>, vector<16xf32>
        %add3A_862 = arith.addf %add3A_832, %select_n3A_861 : vector<16xf32>
        %all_reduce_population_count3A_863 = tpu.all_reduce %le3A_856 {dim = 0 : i64, kind = #tpu.reduction_kind<sum>} : vector<16xi1> -> vector<16xi32>
        %add3A_864 = arith.addi %add3A_834, %all_reduce_population_count3A_863 : vector<16xi32>
        scf.yield %add3A_847, %add3A_849, %add3A_851, %add3A_853, %add3A_858, %add3A_860, %add3A_862, %add3A_864 : vector<16xf32>, vector<16xf32>, vector<16xf32>, vector<16xi32>, vector<16xf32>, vector<16xf32>, vector<16xf32>, vector<16xi32>
      }
      %scan3A_562 = arith.constant 64 : i32
      %reduce_max3A = arith.constant true
      %reduce_max3A_563 = vector.broadcast %reduce_max3A : i1 to vector<16xi1>
      %reduce_max3A_564 = arith.constant -2147483648 : i32
      %reduce_max3A_565 = vector.broadcast %reduce_max3A_564 : i32 to vector<16xi32>
      %reduce_max3A_566 = arith.xori %scan3A_561#3, %reduce_max3A_565 : vector<16xi32>
      %reduce_max3A_567 = tpu.scan <max>, %reduce_max3A_566 masked %reduce_max3A_563 : vector<16xi32>, vector<16xi1> -> vector<16xi32>
      %reduce_max3A_568 = arith.xori %reduce_max3A_567, %reduce_max3A_565 : vector<16xi32>
      %reduce_max3A_569 = vector.extract %reduce_max3A_568[15] : i32 from vector<16xi32>
      %eq3A_570 = arith.constant 3 : i32
      %eq3A_571 = arith.cmpi eq, %reduce_max3A_569, %eq3A_570 : i32
      %convert_element_type3A = arith.extui %eq3A_571 : i1 to i32
      %cond3A = arith.constant 0 : i32
      %cond3A_572 = arith.cmpi ne, %convert_element_type3A, %cond3A : i32
      %cond3A_573:4 = scf.if %cond3A_572 -> (vector<16xf32>, vector<16xf32>, vector<16xf32>, vector<16xi32>) {
        scf.yield %scan3A_561#0, %scan3A_561#1, %scan3A_561#2, %scan3A_561#3 : vector<16xf32>, vector<16xf32>, vector<16xf32>, vector<16xi32>
      } else {
        %scan3A_796 = arith.constant 0 : i32
        %scan3A_797 = arith.constant 64 : i32
        %scan3A_798 = arith.addi %scan3A_796, %scan3A_797 : i32
        %scan3A_799 = arith.constant 1 : i32
        %scan3A_800:3 = scf.for %scan3A_899 = %scan3A_796 to %scan3A_798 step %scan3A_799 iter_args(%scan3A_900 = %broadcast_in_dim3A_90, %scan3A_901 = %broadcast_in_dim3A_90, %scan3A_902 = %broadcast_in_dim3A_90) -> (vector<16xf32>, vector<16xf32>, vector<16xf32>)  : i32 {
          %mul3A_903 = arith.constant 32 : i32
          %mul3A_904 = arith.muli %scan3A_899, %mul3A_903 : i32
          %get3A_905 = arith.index_cast %mul3A_904 : i32 to index
          %get3A_906 = tpu.vector_load %arg15[%get3A_905] {strides = array<i32>} : memref<2048xf32, #tpu.memory_space<vmem>>, vector<16xf32>,
          %max3A_907 = arith.maximumf %scan3A_900, %get3A_906 : vector<16xf32>
          %min3A_908 = arith.minimumf %scan3A_900, %get3A_906 : vector<16xf32>
          %max3A_909 = arith.maximumf %scan3A_901, %max3A_907 : vector<16xf32>
          %min3A_910 = arith.minimumf %scan3A_901, %max3A_907 : vector<16xf32>
          %min3A_911 = arith.minimumf %scan3A_902, %max3A_909 : vector<16xf32>
          %mul3A_912 = arith.constant 32 : i32
          %mul3A_913 = arith.muli %scan3A_899, %mul3A_912 : i32
          %add3A_914 = arith.constant 16 : i32
          %add3A_915 = arith.addi %mul3A_913, %add3A_914 : i32
          %get3A_916 = arith.index_cast %add3A_915 : i32 to index
          %get3A_917 = tpu.vector_load %arg15[%get3A_916] {strides = array<i32>} : memref<2048xf32, #tpu.memory_space<vmem>>, vector<16xf32>,
          %max3A_918 = arith.maximumf %min3A_908, %get3A_917 : vector<16xf32>
          %min3A_919 = arith.minimumf %min3A_908, %get3A_917 : vector<16xf32>
          %max3A_920 = arith.maximumf %min3A_910, %max3A_918 : vector<16xf32>
          %min3A_921 = arith.minimumf %min3A_910, %max3A_918 : vector<16xf32>
          %min3A_922 = arith.minimumf %min3A_911, %max3A_920 : vector<16xf32>
          scf.yield %min3A_919, %min3A_921, %min3A_922 : vector<16xf32>, vector<16xf32>, vector<16xf32>
        }
        %scan3A_801 = arith.constant 64 : i32
        %xor3A_802 = arith.constant 8 : i32
        %xor3A_803 = vector.broadcast %xor3A_802 : i32 to vector<16xi32>
        %xor3A_804 = arith.xori %iota3A, %xor3A_803 : vector<16xi32>
        %broadcast_in_dim3A_805 = vector.shape_cast %xor3A_804 : vector<16xi32> to vector<16x1xi32>
        %gather3A_806 = vector.shape_cast %broadcast_in_dim3A_805 : vector<16x1xi32> to vector<16xi32>
        %gather3A_807 = tpu.dynamic_gather %scan3A_800#0[%gather3A_806] in [0] : vector<16xf32>, vector<16xi32> -> vector<16xf32>
        %min3A_808 = arith.minimumf %scan3A_800#0, %gather3A_807 : vector<16xf32>
        %xor3A_809 = arith.constant 4 : i32
        %xor3A_810 = vector.broadcast %xor3A_809 : i32 to vector<16xi32>
        %xor3A_811 = arith.xori %iota3A, %xor3A_810 : vector<16xi32>
        %broadcast_in_dim3A_812 = vector.shape_cast %xor3A_811 : vector<16xi32> to vector<16x1xi32>
        %gather3A_813 = vector.shape_cast %broadcast_in_dim3A_812 : vector<16x1xi32> to vector<16xi32>
        %gather3A_814 = tpu.dynamic_gather %min3A_808[%gather3A_813] in [0] : vector<16xf32>, vector<16xi32> -> vector<16xf32>
        %min3A_815 = arith.minimumf %min3A_808, %gather3A_814 : vector<16xf32>
        %xor3A_816 = arith.constant 2 : i32
        %xor3A_817 = vector.broadcast %xor3A_816 : i32 to vector<16xi32>
        %xor3A_818 = arith.xori %iota3A, %xor3A_817 : vector<16xi32>
        %broadcast_in_dim3A_819 = vector.shape_cast %xor3A_818 : vector<16xi32> to vector<16x1xi32>
        %gather3A_820 = vector.shape_cast %broadcast_in_dim3A_819 : vector<16x1xi32> to vector<16xi32>
        %gather3A_821 = tpu.dynamic_gather %min3A_815[%gather3A_820] in [0] : vector<16xf32>, vector<16xi32> -> vector<16xf32>
        %min3A_822 = arith.minimumf %min3A_815, %gather3A_821 : vector<16xf32>
        %xor3A_823 = arith.constant 1 : i32
        %xor3A_824 = vector.broadcast %xor3A_823 : i32 to vector<16xi32>
        %xor3A_825 = arith.xori %iota3A, %xor3A_824 : vector<16xi32>
        %broadcast_in_dim3A_826 = vector.shape_cast %xor3A_825 : vector<16xi32> to vector<16x1xi32>
        %gather3A_827 = vector.shape_cast %broadcast_in_dim3A_826 : vector<16x1xi32> to vector<16xi32>
        %gather3A_828 = tpu.dynamic_gather %min3A_822[%gather3A_827] in [0] : vector<16xf32>, vector<16xi32> -> vector<16xf32>
        %min3A_829 = arith.minimumf %min3A_822, %gather3A_828 : vector<16xf32>
        %eq3A_830 = arith.cmpf oeq, %scan3A_800#0, %min3A_829 : vector<16xf32>
        %select_n3A_831 = arith.select %eq3A_830, %scan3A_800#1, %scan3A_800#0 : vector<16xi1>, vector<16xf32>
        %select_n3A_832 = arith.select %eq3A_830, %scan3A_800#2, %scan3A_800#1 : vector<16xi1>, vector<16xf32>
        %xor3A_833 = arith.constant 8 : i32
        %xor3A_834 = vector.broadcast %xor3A_833 : i32 to vector<16xi32>
        %xor3A_835 = arith.xori %iota3A, %xor3A_834 : vector<16xi32>
        %broadcast_in_dim3A_836 = vector.shape_cast %xor3A_835 : vector<16xi32> to vector<16x1xi32>
        %gather3A_837 = vector.shape_cast %broadcast_in_dim3A_836 : vector<16x1xi32> to vector<16xi32>
        %gather3A_838 = tpu.dynamic_gather %select_n3A_831[%gather3A_837] in [0] : vector<16xf32>, vector<16xi32> -> vector<16xf32>
        %min3A_839 = arith.minimumf %select_n3A_831, %gather3A_838 : vector<16xf32>
        %xor3A_840 = arith.constant 4 : i32
        %xor3A_841 = vector.broadcast %xor3A_840 : i32 to vector<16xi32>
        %xor3A_842 = arith.xori %iota3A, %xor3A_841 : vector<16xi32>
        %broadcast_in_dim3A_843 = vector.shape_cast %xor3A_842 : vector<16xi32> to vector<16x1xi32>
        %gather3A_844 = vector.shape_cast %broadcast_in_dim3A_843 : vector<16x1xi32> to vector<16xi32>
        %gather3A_845 = tpu.dynamic_gather %min3A_839[%gather3A_844] in [0] : vector<16xf32>, vector<16xi32> -> vector<16xf32>
        %min3A_846 = arith.minimumf %min3A_839, %gather3A_845 : vector<16xf32>
        %xor3A_847 = arith.constant 2 : i32
        %xor3A_848 = vector.broadcast %xor3A_847 : i32 to vector<16xi32>
        %xor3A_849 = arith.xori %iota3A, %xor3A_848 : vector<16xi32>
        %broadcast_in_dim3A_850 = vector.shape_cast %xor3A_849 : vector<16xi32> to vector<16x1xi32>
        %gather3A_851 = vector.shape_cast %broadcast_in_dim3A_850 : vector<16x1xi32> to vector<16xi32>
        %gather3A_852 = tpu.dynamic_gather %min3A_846[%gather3A_851] in [0] : vector<16xf32>, vector<16xi32> -> vector<16xf32>
        %min3A_853 = arith.minimumf %min3A_846, %gather3A_852 : vector<16xf32>
        %xor3A_854 = arith.constant 1 : i32
        %xor3A_855 = vector.broadcast %xor3A_854 : i32 to vector<16xi32>
        %xor3A_856 = arith.xori %iota3A, %xor3A_855 : vector<16xi32>
        %broadcast_in_dim3A_857 = vector.shape_cast %xor3A_856 : vector<16xi32> to vector<16x1xi32>
        %gather3A_858 = vector.shape_cast %broadcast_in_dim3A_857 : vector<16x1xi32> to vector<16xi32>
        %gather3A_859 = tpu.dynamic_gather %min3A_853[%gather3A_858] in [0] : vector<16xf32>, vector<16xi32> -> vector<16xf32>
        %min3A_860 = arith.minimumf %min3A_853, %gather3A_859 : vector<16xf32>
        %eq3A_861 = arith.cmpf oeq, %select_n3A_831, %min3A_860 : vector<16xf32>
        %select_n3A_862 = arith.select %eq3A_861, %select_n3A_832, %select_n3A_831 : vector<16xi1>, vector<16xf32>
        %xor3A_863 = arith.constant 8 : i32
        %xor3A_864 = vector.broadcast %xor3A_863 : i32 to vector<16xi32>
        %xor3A_865 = arith.xori %iota3A, %xor3A_864 : vector<16xi32>
        %broadcast_in_dim3A_866 = vector.shape_cast %xor3A_865 : vector<16xi32> to vector<16x1xi32>
        %gather3A_867 = vector.shape_cast %broadcast_in_dim3A_866 : vector<16x1xi32> to vector<16xi32>
        %gather3A_868 = tpu.dynamic_gather %select_n3A_862[%gather3A_867] in [0] : vector<16xf32>, vector<16xi32> -> vector<16xf32>
        %min3A_869 = arith.minimumf %select_n3A_862, %gather3A_868 : vector<16xf32>
        %xor3A_870 = arith.constant 4 : i32
        %xor3A_871 = vector.broadcast %xor3A_870 : i32 to vector<16xi32>
        %xor3A_872 = arith.xori %iota3A, %xor3A_871 : vector<16xi32>
        %broadcast_in_dim3A_873 = vector.shape_cast %xor3A_872 : vector<16xi32> to vector<16x1xi32>
        %gather3A_874 = vector.shape_cast %broadcast_in_dim3A_873 : vector<16x1xi32> to vector<16xi32>
        %gather3A_875 = tpu.dynamic_gather %min3A_869[%gather3A_874] in [0] : vector<16xf32>, vector<16xi32> -> vector<16xf32>
        %min3A_876 = arith.minimumf %min3A_869, %gather3A_875 : vector<16xf32>
        %xor3A_877 = arith.constant 2 : i32
        %xor3A_878 = vector.broadcast %xor3A_877 : i32 to vector<16xi32>
        %xor3A_879 = arith.xori %iota3A, %xor3A_878 : vector<16xi32>
        %broadcast_in_dim3A_880 = vector.shape_cast %xor3A_879 : vector<16xi32> to vector<16x1xi32>
        %gather3A_881 = vector.shape_cast %broadcast_in_dim3A_880 : vector<16x1xi32> to vector<16xi32>
        %gather3A_882 = tpu.dynamic_gather %min3A_876[%gather3A_881] in [0] : vector<16xf32>, vector<16xi32> -> vector<16xf32>
        %min3A_883 = arith.minimumf %min3A_876, %gather3A_882 : vector<16xf32>
        %xor3A_884 = arith.constant 1 : i32
        %xor3A_885 = vector.broadcast %xor3A_884 : i32 to vector<16xi32>
        %xor3A_886 = arith.xori %iota3A, %xor3A_885 : vector<16xi32>
        %broadcast_in_dim3A_887 = vector.shape_cast %xor3A_886 : vector<16xi32> to vector<16x1xi32>
        %gather3A_888 = vector.shape_cast %broadcast_in_dim3A_887 : vector<16x1xi32> to vector<16xi32>
        %gather3A_889 = tpu.dynamic_gather %min3A_883[%gather3A_888] in [0] : vector<16xf32>, vector<16xi32> -> vector<16xf32>
        %min3A_890 = arith.minimumf %min3A_883, %gather3A_889 : vector<16xf32>
        %broadcast_in_dim3A_891 = arith.constant 0 : i32
        %broadcast_in_dim3A_892 = vector.broadcast %broadcast_in_dim3A_891 : i32 to vector<16xi32>
        %scan3A_893 = arith.constant 0 : i32
        %scan3A_894 = arith.constant 64 : i32
        %scan3A_895 = arith.addi %scan3A_893, %scan3A_894 : i32
        %scan3A_896 = arith.constant 1 : i32
        %scan3A_897:4 = scf.for %scan3A_899 = %scan3A_893 to %scan3A_895 step %scan3A_896 iter_args(%scan3A_900 = %broadcast_in_dim3A_92, %scan3A_901 = %broadcast_in_dim3A_92, %scan3A_902 = %broadcast_in_dim3A_92, %scan3A_903 = %broadcast_in_dim3A_892) -> (vector<16xf32>, vector<16xf32>, vector<16xf32>, vector<16xi32>)  : i32 {
          %mul3A_904 = arith.constant 32 : i32
          %mul3A_905 = arith.muli %scan3A_899, %mul3A_904 : i32
          %add3A_906 = arith.constant 0 : i32
          %add3A_907 = arith.addi %mul3A_905, %add3A_906 : i32
          %get3A_908 = arith.index_cast %add3A_907 : i32 to index
          %get3A_909 = tpu.vector_load %arg15[%get3A_908] {strides = array<i32>} : memref<2048xf32, #tpu.memory_space<vmem>>, vector<16xf32>,
          %le3A = arith.cmpf ole, %get3A_909, %min3A_890 : vector<16xf32>
          %get3A_910 = arith.index_cast %add3A_907 : i32 to index
          %get3A_911 = tpu.vector_load %arg9[%get3A_910] {strides = array<i32>} : memref<2048xf32, #tpu.memory_space<vmem>>, vector<16xf32>,
          %select_n3A_912 = arith.select %le3A, %get3A_911, %broadcast_in_dim3A_92 : vector<16xi1>, vector<16xf32>
          %add3A_913 = arith.addf %scan3A_900, %select_n3A_912 : vector<16xf32>
          %get3A_914 = arith.index_cast %add3A_907 : i32 to index
          %get3A_915 = tpu.vector_load %arg10[%get3A_914] {strides = array<i32>} : memref<2048xf32, #tpu.memory_space<vmem>>, vector<16xf32>,
          %select_n3A_916 = arith.select %le3A, %get3A_915, %broadcast_in_dim3A_92 : vector<16xi1>, vector<16xf32>
          %add3A_917 = arith.addf %scan3A_901, %select_n3A_916 : vector<16xf32>
          %get3A_918 = arith.index_cast %add3A_907 : i32 to index
          %get3A_919 = tpu.vector_load %arg11[%get3A_918] {strides = array<i32>} : memref<2048xf32, #tpu.memory_space<vmem>>, vector<16xf32>,
          %select_n3A_920 = arith.select %le3A, %get3A_919, %broadcast_in_dim3A_92 : vector<16xi1>, vector<16xf32>
          %add3A_921 = arith.addf %scan3A_902, %select_n3A_920 : vector<16xf32>
          %all_reduce_population_count3A = tpu.all_reduce %le3A {dim = 0 : i64, kind = #tpu.reduction_kind<sum>} : vector<16xi1> -> vector<16xi32>
          %add3A_922 = arith.addi %scan3A_903, %all_reduce_population_count3A : vector<16xi32>
          %mul3A_923 = arith.constant 32 : i32
          %mul3A_924 = arith.muli %scan3A_899, %mul3A_923 : i32
          %add3A_925 = arith.constant 16 : i32
          %add3A_926 = arith.addi %mul3A_924, %add3A_925 : i32
          %get3A_927 = arith.index_cast %add3A_926 : i32 to index
          %get3A_928 = tpu.vector_load %arg15[%get3A_927] {strides = array<i32>} : memref<2048xf32, #tpu.memory_space<vmem>>, vector<16xf32>,
          %le3A_929 = arith.cmpf ole, %get3A_928, %min3A_890 : vector<16xf32>
          %get3A_930 = arith.index_cast %add3A_926 : i32 to index
          %get3A_931 = tpu.vector_load %arg9[%get3A_930] {strides = array<i32>} : memref<2048xf32, #tpu.memory_space<vmem>>, vector<16xf32>,
          %select_n3A_932 = arith.select %le3A_929, %get3A_931, %broadcast_in_dim3A_92 : vector<16xi1>, vector<16xf32>
          %add3A_933 = arith.addf %add3A_913, %select_n3A_932 : vector<16xf32>
          %get3A_934 = arith.index_cast %add3A_926 : i32 to index
          %get3A_935 = tpu.vector_load %arg10[%get3A_934] {strides = array<i32>} : memref<2048xf32, #tpu.memory_space<vmem>>, vector<16xf32>,
          %select_n3A_936 = arith.select %le3A_929, %get3A_935, %broadcast_in_dim3A_92 : vector<16xi1>, vector<16xf32>
          %add3A_937 = arith.addf %add3A_917, %select_n3A_936 : vector<16xf32>
          %get3A_938 = arith.index_cast %add3A_926 : i32 to index
          %get3A_939 = tpu.vector_load %arg11[%get3A_938] {strides = array<i32>} : memref<2048xf32, #tpu.memory_space<vmem>>, vector<16xf32>,
          %select_n3A_940 = arith.select %le3A_929, %get3A_939, %broadcast_in_dim3A_92 : vector<16xi1>, vector<16xf32>
          %add3A_941 = arith.addf %add3A_921, %select_n3A_940 : vector<16xf32>
          %all_reduce_population_count3A_942 = tpu.all_reduce %le3A_929 {dim = 0 : i64, kind = #tpu.reduction_kind<sum>} : vector<16xi1> -> vector<16xi32>
          %add3A_943 = arith.addi %add3A_922, %all_reduce_population_count3A_942 : vector<16xi32>
          scf.yield %add3A_933, %add3A_937, %add3A_941, %add3A_943 : vector<16xf32>, vector<16xf32>, vector<16xf32>, vector<16xi32>
        }
        %scan3A_898 = arith.constant 64 : i32
        scf.yield %scan3A_897#0, %scan3A_897#1, %scan3A_897#2, %scan3A_897#3 : vector<16xf32>, vector<16xf32>, vector<16xf32>, vector<16xi32>
      }
      %reduce_max3A_574 = arith.constant true
      %reduce_max3A_575 = vector.broadcast %reduce_max3A_574 : i1 to vector<16xi1>
      %reduce_max3A_576 = arith.constant -2147483648 : i32
      %reduce_max3A_577 = vector.broadcast %reduce_max3A_576 : i32 to vector<16xi32>
      %reduce_max3A_578 = arith.xori %scan3A_561#7, %reduce_max3A_577 : vector<16xi32>
      %reduce_max3A_579 = tpu.scan <max>, %reduce_max3A_578 masked %reduce_max3A_575 : vector<16xi32>, vector<16xi1> -> vector<16xi32>
      %reduce_max3A_580 = arith.xori %reduce_max3A_579, %reduce_max3A_577 : vector<16xi32>
      %reduce_max3A_581 = vector.extract %reduce_max3A_580[15] : i32 from vector<16xi32>
      %eq3A_582 = arith.constant 3 : i32
      %eq3A_583 = arith.cmpi eq, %reduce_max3A_581, %eq3A_582 : i32
      %convert_element_type3A_584 = arith.extui %eq3A_583 : i1 to i32
      %cond3A_585 = arith.constant 0 : i32
      %cond3A_586 = arith.cmpi ne, %convert_element_type3A_584, %cond3A_585 : i32
      %cond3A_587:4 = scf.if %cond3A_586 -> (vector<16xf32>, vector<16xf32>, vector<16xf32>, vector<16xi32>) {
        scf.yield %scan3A_561#4, %scan3A_561#5, %scan3A_561#6, %scan3A_561#7 : vector<16xf32>, vector<16xf32>, vector<16xf32>, vector<16xi32>
      } else {
        %scan3A_796 = arith.constant 0 : i32
        %scan3A_797 = arith.constant 64 : i32
        %scan3A_798 = arith.addi %scan3A_796, %scan3A_797 : i32
        %scan3A_799 = arith.constant 1 : i32
        %scan3A_800:3 = scf.for %scan3A_899 = %scan3A_796 to %scan3A_798 step %scan3A_799 iter_args(%scan3A_900 = %broadcast_in_dim3A_90, %scan3A_901 = %broadcast_in_dim3A_90, %scan3A_902 = %broadcast_in_dim3A_90) -> (vector<16xf32>, vector<16xf32>, vector<16xf32>)  : i32 {
          %mul3A_903 = arith.constant 32 : i32
          %mul3A_904 = arith.muli %scan3A_899, %mul3A_903 : i32
          %get3A_905 = arith.index_cast %mul3A_904 : i32 to index
          %get3A_906 = tpu.vector_load %arg16[%get3A_905] {strides = array<i32>} : memref<2048xf32, #tpu.memory_space<vmem>>, vector<16xf32>,
          %max3A_907 = arith.maximumf %scan3A_900, %get3A_906 : vector<16xf32>
          %min3A_908 = arith.minimumf %scan3A_900, %get3A_906 : vector<16xf32>
          %max3A_909 = arith.maximumf %scan3A_901, %max3A_907 : vector<16xf32>
          %min3A_910 = arith.minimumf %scan3A_901, %max3A_907 : vector<16xf32>
          %min3A_911 = arith.minimumf %scan3A_902, %max3A_909 : vector<16xf32>
          %mul3A_912 = arith.constant 32 : i32
          %mul3A_913 = arith.muli %scan3A_899, %mul3A_912 : i32
          %add3A_914 = arith.constant 16 : i32
          %add3A_915 = arith.addi %mul3A_913, %add3A_914 : i32
          %get3A_916 = arith.index_cast %add3A_915 : i32 to index
          %get3A_917 = tpu.vector_load %arg16[%get3A_916] {strides = array<i32>} : memref<2048xf32, #tpu.memory_space<vmem>>, vector<16xf32>,
          %max3A_918 = arith.maximumf %min3A_908, %get3A_917 : vector<16xf32>
          %min3A_919 = arith.minimumf %min3A_908, %get3A_917 : vector<16xf32>
          %max3A_920 = arith.maximumf %min3A_910, %max3A_918 : vector<16xf32>
          %min3A_921 = arith.minimumf %min3A_910, %max3A_918 : vector<16xf32>
          %min3A_922 = arith.minimumf %min3A_911, %max3A_920 : vector<16xf32>
          scf.yield %min3A_919, %min3A_921, %min3A_922 : vector<16xf32>, vector<16xf32>, vector<16xf32>
        }
        %scan3A_801 = arith.constant 64 : i32
        %xor3A_802 = arith.constant 8 : i32
        %xor3A_803 = vector.broadcast %xor3A_802 : i32 to vector<16xi32>
        %xor3A_804 = arith.xori %iota3A, %xor3A_803 : vector<16xi32>
        %broadcast_in_dim3A_805 = vector.shape_cast %xor3A_804 : vector<16xi32> to vector<16x1xi32>
        %gather3A_806 = vector.shape_cast %broadcast_in_dim3A_805 : vector<16x1xi32> to vector<16xi32>
        %gather3A_807 = tpu.dynamic_gather %scan3A_800#0[%gather3A_806] in [0] : vector<16xf32>, vector<16xi32> -> vector<16xf32>
        %min3A_808 = arith.minimumf %scan3A_800#0, %gather3A_807 : vector<16xf32>
        %xor3A_809 = arith.constant 4 : i32
        %xor3A_810 = vector.broadcast %xor3A_809 : i32 to vector<16xi32>
        %xor3A_811 = arith.xori %iota3A, %xor3A_810 : vector<16xi32>
        %broadcast_in_dim3A_812 = vector.shape_cast %xor3A_811 : vector<16xi32> to vector<16x1xi32>
        %gather3A_813 = vector.shape_cast %broadcast_in_dim3A_812 : vector<16x1xi32> to vector<16xi32>
        %gather3A_814 = tpu.dynamic_gather %min3A_808[%gather3A_813] in [0] : vector<16xf32>, vector<16xi32> -> vector<16xf32>
        %min3A_815 = arith.minimumf %min3A_808, %gather3A_814 : vector<16xf32>
        %xor3A_816 = arith.constant 2 : i32
        %xor3A_817 = vector.broadcast %xor3A_816 : i32 to vector<16xi32>
        %xor3A_818 = arith.xori %iota3A, %xor3A_817 : vector<16xi32>
        %broadcast_in_dim3A_819 = vector.shape_cast %xor3A_818 : vector<16xi32> to vector<16x1xi32>
        %gather3A_820 = vector.shape_cast %broadcast_in_dim3A_819 : vector<16x1xi32> to vector<16xi32>
        %gather3A_821 = tpu.dynamic_gather %min3A_815[%gather3A_820] in [0] : vector<16xf32>, vector<16xi32> -> vector<16xf32>
        %min3A_822 = arith.minimumf %min3A_815, %gather3A_821 : vector<16xf32>
        %xor3A_823 = arith.constant 1 : i32
        %xor3A_824 = vector.broadcast %xor3A_823 : i32 to vector<16xi32>
        %xor3A_825 = arith.xori %iota3A, %xor3A_824 : vector<16xi32>
        %broadcast_in_dim3A_826 = vector.shape_cast %xor3A_825 : vector<16xi32> to vector<16x1xi32>
        %gather3A_827 = vector.shape_cast %broadcast_in_dim3A_826 : vector<16x1xi32> to vector<16xi32>
        %gather3A_828 = tpu.dynamic_gather %min3A_822[%gather3A_827] in [0] : vector<16xf32>, vector<16xi32> -> vector<16xf32>
        %min3A_829 = arith.minimumf %min3A_822, %gather3A_828 : vector<16xf32>
        %eq3A_830 = arith.cmpf oeq, %scan3A_800#0, %min3A_829 : vector<16xf32>
        %select_n3A_831 = arith.select %eq3A_830, %scan3A_800#1, %scan3A_800#0 : vector<16xi1>, vector<16xf32>
        %select_n3A_832 = arith.select %eq3A_830, %scan3A_800#2, %scan3A_800#1 : vector<16xi1>, vector<16xf32>
        %xor3A_833 = arith.constant 8 : i32
        %xor3A_834 = vector.broadcast %xor3A_833 : i32 to vector<16xi32>
        %xor3A_835 = arith.xori %iota3A, %xor3A_834 : vector<16xi32>
        %broadcast_in_dim3A_836 = vector.shape_cast %xor3A_835 : vector<16xi32> to vector<16x1xi32>
        %gather3A_837 = vector.shape_cast %broadcast_in_dim3A_836 : vector<16x1xi32> to vector<16xi32>
        %gather3A_838 = tpu.dynamic_gather %select_n3A_831[%gather3A_837] in [0] : vector<16xf32>, vector<16xi32> -> vector<16xf32>
        %min3A_839 = arith.minimumf %select_n3A_831, %gather3A_838 : vector<16xf32>
        %xor3A_840 = arith.constant 4 : i32
        %xor3A_841 = vector.broadcast %xor3A_840 : i32 to vector<16xi32>
        %xor3A_842 = arith.xori %iota3A, %xor3A_841 : vector<16xi32>
        %broadcast_in_dim3A_843 = vector.shape_cast %xor3A_842 : vector<16xi32> to vector<16x1xi32>
        %gather3A_844 = vector.shape_cast %broadcast_in_dim3A_843 : vector<16x1xi32> to vector<16xi32>
        %gather3A_845 = tpu.dynamic_gather %min3A_839[%gather3A_844] in [0] : vector<16xf32>, vector<16xi32> -> vector<16xf32>
        %min3A_846 = arith.minimumf %min3A_839, %gather3A_845 : vector<16xf32>
        %xor3A_847 = arith.constant 2 : i32
        %xor3A_848 = vector.broadcast %xor3A_847 : i32 to vector<16xi32>
        %xor3A_849 = arith.xori %iota3A, %xor3A_848 : vector<16xi32>
        %broadcast_in_dim3A_850 = vector.shape_cast %xor3A_849 : vector<16xi32> to vector<16x1xi32>
        %gather3A_851 = vector.shape_cast %broadcast_in_dim3A_850 : vector<16x1xi32> to vector<16xi32>
        %gather3A_852 = tpu.dynamic_gather %min3A_846[%gather3A_851] in [0] : vector<16xf32>, vector<16xi32> -> vector<16xf32>
        %min3A_853 = arith.minimumf %min3A_846, %gather3A_852 : vector<16xf32>
        %xor3A_854 = arith.constant 1 : i32
        %xor3A_855 = vector.broadcast %xor3A_854 : i32 to vector<16xi32>
        %xor3A_856 = arith.xori %iota3A, %xor3A_855 : vector<16xi32>
        %broadcast_in_dim3A_857 = vector.shape_cast %xor3A_856 : vector<16xi32> to vector<16x1xi32>
        %gather3A_858 = vector.shape_cast %broadcast_in_dim3A_857 : vector<16x1xi32> to vector<16xi32>
        %gather3A_859 = tpu.dynamic_gather %min3A_853[%gather3A_858] in [0] : vector<16xf32>, vector<16xi32> -> vector<16xf32>
        %min3A_860 = arith.minimumf %min3A_853, %gather3A_859 : vector<16xf32>
        %eq3A_861 = arith.cmpf oeq, %select_n3A_831, %min3A_860 : vector<16xf32>
        %select_n3A_862 = arith.select %eq3A_861, %select_n3A_832, %select_n3A_831 : vector<16xi1>, vector<16xf32>
        %xor3A_863 = arith.constant 8 : i32
        %xor3A_864 = vector.broadcast %xor3A_863 : i32 to vector<16xi32>
        %xor3A_865 = arith.xori %iota3A, %xor3A_864 : vector<16xi32>
        %broadcast_in_dim3A_866 = vector.shape_cast %xor3A_865 : vector<16xi32> to vector<16x1xi32>
        %gather3A_867 = vector.shape_cast %broadcast_in_dim3A_866 : vector<16x1xi32> to vector<16xi32>
        %gather3A_868 = tpu.dynamic_gather %select_n3A_862[%gather3A_867] in [0] : vector<16xf32>, vector<16xi32> -> vector<16xf32>
        %min3A_869 = arith.minimumf %select_n3A_862, %gather3A_868 : vector<16xf32>
        %xor3A_870 = arith.constant 4 : i32
        %xor3A_871 = vector.broadcast %xor3A_870 : i32 to vector<16xi32>
        %xor3A_872 = arith.xori %iota3A, %xor3A_871 : vector<16xi32>
        %broadcast_in_dim3A_873 = vector.shape_cast %xor3A_872 : vector<16xi32> to vector<16x1xi32>
        %gather3A_874 = vector.shape_cast %broadcast_in_dim3A_873 : vector<16x1xi32> to vector<16xi32>
        %gather3A_875 = tpu.dynamic_gather %min3A_869[%gather3A_874] in [0] : vector<16xf32>, vector<16xi32> -> vector<16xf32>
        %min3A_876 = arith.minimumf %min3A_869, %gather3A_875 : vector<16xf32>
        %xor3A_877 = arith.constant 2 : i32
        %xor3A_878 = vector.broadcast %xor3A_877 : i32 to vector<16xi32>
        %xor3A_879 = arith.xori %iota3A, %xor3A_878 : vector<16xi32>
        %broadcast_in_dim3A_880 = vector.shape_cast %xor3A_879 : vector<16xi32> to vector<16x1xi32>
        %gather3A_881 = vector.shape_cast %broadcast_in_dim3A_880 : vector<16x1xi32> to vector<16xi32>
        %gather3A_882 = tpu.dynamic_gather %min3A_876[%gather3A_881] in [0] : vector<16xf32>, vector<16xi32> -> vector<16xf32>
        %min3A_883 = arith.minimumf %min3A_876, %gather3A_882 : vector<16xf32>
        %xor3A_884 = arith.constant 1 : i32
        %xor3A_885 = vector.broadcast %xor3A_884 : i32 to vector<16xi32>
        %xor3A_886 = arith.xori %iota3A, %xor3A_885 : vector<16xi32>
        %broadcast_in_dim3A_887 = vector.shape_cast %xor3A_886 : vector<16xi32> to vector<16x1xi32>
        %gather3A_888 = vector.shape_cast %broadcast_in_dim3A_887 : vector<16x1xi32> to vector<16xi32>
        %gather3A_889 = tpu.dynamic_gather %min3A_883[%gather3A_888] in [0] : vector<16xf32>, vector<16xi32> -> vector<16xf32>
        %min3A_890 = arith.minimumf %min3A_883, %gather3A_889 : vector<16xf32>
        %broadcast_in_dim3A_891 = arith.constant 0 : i32
        %broadcast_in_dim3A_892 = vector.broadcast %broadcast_in_dim3A_891 : i32 to vector<16xi32>
        %scan3A_893 = arith.constant 0 : i32
        %scan3A_894 = arith.constant 64 : i32
        %scan3A_895 = arith.addi %scan3A_893, %scan3A_894 : i32
        %scan3A_896 = arith.constant 1 : i32
        %scan3A_897:4 = scf.for %scan3A_899 = %scan3A_893 to %scan3A_895 step %scan3A_896 iter_args(%scan3A_900 = %broadcast_in_dim3A_92, %scan3A_901 = %broadcast_in_dim3A_92, %scan3A_902 = %broadcast_in_dim3A_92, %scan3A_903 = %broadcast_in_dim3A_892) -> (vector<16xf32>, vector<16xf32>, vector<16xf32>, vector<16xi32>)  : i32 {
          %mul3A_904 = arith.constant 32 : i32
          %mul3A_905 = arith.muli %scan3A_899, %mul3A_904 : i32
          %add3A_906 = arith.constant 0 : i32
          %add3A_907 = arith.addi %mul3A_905, %add3A_906 : i32
          %get3A_908 = arith.index_cast %add3A_907 : i32 to index
          %get3A_909 = tpu.vector_load %arg16[%get3A_908] {strides = array<i32>} : memref<2048xf32, #tpu.memory_space<vmem>>, vector<16xf32>,
          %le3A = arith.cmpf ole, %get3A_909, %min3A_890 : vector<16xf32>
          %get3A_910 = arith.index_cast %add3A_907 : i32 to index
          %get3A_911 = tpu.vector_load %arg9[%get3A_910] {strides = array<i32>} : memref<2048xf32, #tpu.memory_space<vmem>>, vector<16xf32>,
          %select_n3A_912 = arith.select %le3A, %get3A_911, %broadcast_in_dim3A_92 : vector<16xi1>, vector<16xf32>
          %add3A_913 = arith.addf %scan3A_900, %select_n3A_912 : vector<16xf32>
          %get3A_914 = arith.index_cast %add3A_907 : i32 to index
          %get3A_915 = tpu.vector_load %arg10[%get3A_914] {strides = array<i32>} : memref<2048xf32, #tpu.memory_space<vmem>>, vector<16xf32>,
          %select_n3A_916 = arith.select %le3A, %get3A_915, %broadcast_in_dim3A_92 : vector<16xi1>, vector<16xf32>
          %add3A_917 = arith.addf %scan3A_901, %select_n3A_916 : vector<16xf32>
          %get3A_918 = arith.index_cast %add3A_907 : i32 to index
          %get3A_919 = tpu.vector_load %arg11[%get3A_918] {strides = array<i32>} : memref<2048xf32, #tpu.memory_space<vmem>>, vector<16xf32>,
          %select_n3A_920 = arith.select %le3A, %get3A_919, %broadcast_in_dim3A_92 : vector<16xi1>, vector<16xf32>
          %add3A_921 = arith.addf %scan3A_902, %select_n3A_920 : vector<16xf32>
          %all_reduce_population_count3A = tpu.all_reduce %le3A {dim = 0 : i64, kind = #tpu.reduction_kind<sum>} : vector<16xi1> -> vector<16xi32>
          %add3A_922 = arith.addi %scan3A_903, %all_reduce_population_count3A : vector<16xi32>
          %mul3A_923 = arith.constant 32 : i32
          %mul3A_924 = arith.muli %scan3A_899, %mul3A_923 : i32
          %add3A_925 = arith.constant 16 : i32
          %add3A_926 = arith.addi %mul3A_924, %add3A_925 : i32
          %get3A_927 = arith.index_cast %add3A_926 : i32 to index
          %get3A_928 = tpu.vector_load %arg16[%get3A_927] {strides = array<i32>} : memref<2048xf32, #tpu.memory_space<vmem>>, vector<16xf32>,
          %le3A_929 = arith.cmpf ole, %get3A_928, %min3A_890 : vector<16xf32>
          %get3A_930 = arith.index_cast %add3A_926 : i32 to index
          %get3A_931 = tpu.vector_load %arg9[%get3A_930] {strides = array<i32>} : memref<2048xf32, #tpu.memory_space<vmem>>, vector<16xf32>,
          %select_n3A_932 = arith.select %le3A_929, %get3A_931, %broadcast_in_dim3A_92 : vector<16xi1>, vector<16xf32>
          %add3A_933 = arith.addf %add3A_913, %select_n3A_932 : vector<16xf32>
          %get3A_934 = arith.index_cast %add3A_926 : i32 to index
          %get3A_935 = tpu.vector_load %arg10[%get3A_934] {strides = array<i32>} : memref<2048xf32, #tpu.memory_space<vmem>>, vector<16xf32>,
          %select_n3A_936 = arith.select %le3A_929, %get3A_935, %broadcast_in_dim3A_92 : vector<16xi1>, vector<16xf32>
          %add3A_937 = arith.addf %add3A_917, %select_n3A_936 : vector<16xf32>
          %get3A_938 = arith.index_cast %add3A_926 : i32 to index
          %get3A_939 = tpu.vector_load %arg11[%get3A_938] {strides = array<i32>} : memref<2048xf32, #tpu.memory_space<vmem>>, vector<16xf32>,
          %select_n3A_940 = arith.select %le3A_929, %get3A_939, %broadcast_in_dim3A_92 : vector<16xi1>, vector<16xf32>
          %add3A_941 = arith.addf %add3A_921, %select_n3A_940 : vector<16xf32>
          %all_reduce_population_count3A_942 = tpu.all_reduce %le3A_929 {dim = 0 : i64, kind = #tpu.reduction_kind<sum>} : vector<16xi1> -> vector<16xi32>
          %add3A_943 = arith.addi %add3A_922, %all_reduce_population_count3A_942 : vector<16xi32>
          scf.yield %add3A_933, %add3A_937, %add3A_941, %add3A_943 : vector<16xf32>, vector<16xf32>, vector<16xf32>, vector<16xi32>
        }
        %scan3A_898 = arith.constant 64 : i32
        scf.yield %scan3A_897#0, %scan3A_897#1, %scan3A_897#2, %scan3A_897#3 : vector<16xf32>, vector<16xf32>, vector<16xf32>, vector<16xi32>
      }
      %convert_element_type3A_588 = arith.sitofp %cond3A_573#3 : vector<16xi32> to vector<16xf32>
      %div3A_589 = arith.divf %broadcast_in_dim3A_94, %convert_element_type3A_588 : vector<16xf32>
      %convert_element_type3A_590 = arith.sitofp %cond3A_587#3 : vector<16xi32> to vector<16xf32>
      %div3A_591 = arith.divf %broadcast_in_dim3A_94, %convert_element_type3A_590 : vector<16xf32>
      %xor3A_592 = arith.constant 8 : i32
      %xor3A_593 = vector.broadcast %xor3A_592 : i32 to vector<16xi32>
      %xor3A_594 = arith.xori %iota3A, %xor3A_593 : vector<16xi32>
      %broadcast_in_dim3A_595 = vector.shape_cast %xor3A_594 : vector<16xi32> to vector<16x1xi32>
      %gather3A_596 = vector.shape_cast %broadcast_in_dim3A_595 : vector<16x1xi32> to vector<16xi32>
      %gather3A_597 = tpu.dynamic_gather %cond3A_573#0[%gather3A_596] in [0] : vector<16xf32>, vector<16xi32> -> vector<16xf32>
      %add3A_598 = arith.addf %cond3A_573#0, %gather3A_597 : vector<16xf32>
      %xor3A_599 = arith.constant 4 : i32
      %xor3A_600 = vector.broadcast %xor3A_599 : i32 to vector<16xi32>
      %xor3A_601 = arith.xori %iota3A, %xor3A_600 : vector<16xi32>
      %broadcast_in_dim3A_602 = vector.shape_cast %xor3A_601 : vector<16xi32> to vector<16x1xi32>
      %gather3A_603 = vector.shape_cast %broadcast_in_dim3A_602 : vector<16x1xi32> to vector<16xi32>
      %gather3A_604 = tpu.dynamic_gather %add3A_598[%gather3A_603] in [0] : vector<16xf32>, vector<16xi32> -> vector<16xf32>
      %add3A_605 = arith.addf %add3A_598, %gather3A_604 : vector<16xf32>
      %xor3A_606 = arith.constant 2 : i32
      %xor3A_607 = vector.broadcast %xor3A_606 : i32 to vector<16xi32>
      %xor3A_608 = arith.xori %iota3A, %xor3A_607 : vector<16xi32>
      %broadcast_in_dim3A_609 = vector.shape_cast %xor3A_608 : vector<16xi32> to vector<16x1xi32>
      %gather3A_610 = vector.shape_cast %broadcast_in_dim3A_609 : vector<16x1xi32> to vector<16xi32>
      %gather3A_611 = tpu.dynamic_gather %add3A_605[%gather3A_610] in [0] : vector<16xf32>, vector<16xi32> -> vector<16xf32>
      %add3A_612 = arith.addf %add3A_605, %gather3A_611 : vector<16xf32>
      %xor3A_613 = arith.constant 1 : i32
      %xor3A_614 = vector.broadcast %xor3A_613 : i32 to vector<16xi32>
      %xor3A_615 = arith.xori %iota3A, %xor3A_614 : vector<16xi32>
      %broadcast_in_dim3A_616 = vector.shape_cast %xor3A_615 : vector<16xi32> to vector<16x1xi32>
      %gather3A_617 = vector.shape_cast %broadcast_in_dim3A_616 : vector<16x1xi32> to vector<16xi32>
      %gather3A_618 = tpu.dynamic_gather %add3A_612[%gather3A_617] in [0] : vector<16xf32>, vector<16xi32> -> vector<16xf32>
      %add3A_619 = arith.addf %add3A_612, %gather3A_618 : vector<16xf32>
      %mul3A_620 = arith.mulf %add3A_619, %div3A_589 : vector<16xf32>
      %xor3A_621 = arith.constant 8 : i32
      %xor3A_622 = vector.broadcast %xor3A_621 : i32 to vector<16xi32>
      %xor3A_623 = arith.xori %iota3A, %xor3A_622 : vector<16xi32>
      %broadcast_in_dim3A_624 = vector.shape_cast %xor3A_623 : vector<16xi32> to vector<16x1xi32>
      %gather3A_625 = vector.shape_cast %broadcast_in_dim3A_624 : vector<16x1xi32> to vector<16xi32>
      %gather3A_626 = tpu.dynamic_gather %cond3A_573#1[%gather3A_625] in [0] : vector<16xf32>, vector<16xi32> -> vector<16xf32>
      %add3A_627 = arith.addf %cond3A_573#1, %gather3A_626 : vector<16xf32>
      %xor3A_628 = arith.constant 4 : i32
      %xor3A_629 = vector.broadcast %xor3A_628 : i32 to vector<16xi32>
      %xor3A_630 = arith.xori %iota3A, %xor3A_629 : vector<16xi32>
      %broadcast_in_dim3A_631 = vector.shape_cast %xor3A_630 : vector<16xi32> to vector<16x1xi32>
      %gather3A_632 = vector.shape_cast %broadcast_in_dim3A_631 : vector<16x1xi32> to vector<16xi32>
      %gather3A_633 = tpu.dynamic_gather %add3A_627[%gather3A_632] in [0] : vector<16xf32>, vector<16xi32> -> vector<16xf32>
      %add3A_634 = arith.addf %add3A_627, %gather3A_633 : vector<16xf32>
      %xor3A_635 = arith.constant 2 : i32
      %xor3A_636 = vector.broadcast %xor3A_635 : i32 to vector<16xi32>
      %xor3A_637 = arith.xori %iota3A, %xor3A_636 : vector<16xi32>
      %broadcast_in_dim3A_638 = vector.shape_cast %xor3A_637 : vector<16xi32> to vector<16x1xi32>
      %gather3A_639 = vector.shape_cast %broadcast_in_dim3A_638 : vector<16x1xi32> to vector<16xi32>
      %gather3A_640 = tpu.dynamic_gather %add3A_634[%gather3A_639] in [0] : vector<16xf32>, vector<16xi32> -> vector<16xf32>
      %add3A_641 = arith.addf %add3A_634, %gather3A_640 : vector<16xf32>
      %xor3A_642 = arith.constant 1 : i32
      %xor3A_643 = vector.broadcast %xor3A_642 : i32 to vector<16xi32>
      %xor3A_644 = arith.xori %iota3A, %xor3A_643 : vector<16xi32>
      %broadcast_in_dim3A_645 = vector.shape_cast %xor3A_644 : vector<16xi32> to vector<16x1xi32>
      %gather3A_646 = vector.shape_cast %broadcast_in_dim3A_645 : vector<16x1xi32> to vector<16xi32>
      %gather3A_647 = tpu.dynamic_gather %add3A_641[%gather3A_646] in [0] : vector<16xf32>, vector<16xi32> -> vector<16xf32>
      %add3A_648 = arith.addf %add3A_641, %gather3A_647 : vector<16xf32>
      %mul3A_649 = arith.mulf %add3A_648, %div3A_589 : vector<16xf32>
      %xor3A_650 = arith.constant 8 : i32
      %xor3A_651 = vector.broadcast %xor3A_650 : i32 to vector<16xi32>
      %xor3A_652 = arith.xori %iota3A, %xor3A_651 : vector<16xi32>
      %broadcast_in_dim3A_653 = vector.shape_cast %xor3A_652 : vector<16xi32> to vector<16x1xi32>
      %gather3A_654 = vector.shape_cast %broadcast_in_dim3A_653 : vector<16x1xi32> to vector<16xi32>
      %gather3A_655 = tpu.dynamic_gather %cond3A_573#2[%gather3A_654] in [0] : vector<16xf32>, vector<16xi32> -> vector<16xf32>
      %add3A_656 = arith.addf %cond3A_573#2, %gather3A_655 : vector<16xf32>
      %xor3A_657 = arith.constant 4 : i32
      %xor3A_658 = vector.broadcast %xor3A_657 : i32 to vector<16xi32>
      %xor3A_659 = arith.xori %iota3A, %xor3A_658 : vector<16xi32>
      %broadcast_in_dim3A_660 = vector.shape_cast %xor3A_659 : vector<16xi32> to vector<16x1xi32>
      %gather3A_661 = vector.shape_cast %broadcast_in_dim3A_660 : vector<16x1xi32> to vector<16xi32>
      %gather3A_662 = tpu.dynamic_gather %add3A_656[%gather3A_661] in [0] : vector<16xf32>, vector<16xi32> -> vector<16xf32>
      %add3A_663 = arith.addf %add3A_656, %gather3A_662 : vector<16xf32>
      %xor3A_664 = arith.constant 2 : i32
      %xor3A_665 = vector.broadcast %xor3A_664 : i32 to vector<16xi32>
      %xor3A_666 = arith.xori %iota3A, %xor3A_665 : vector<16xi32>
      %broadcast_in_dim3A_667 = vector.shape_cast %xor3A_666 : vector<16xi32> to vector<16x1xi32>
      %gather3A_668 = vector.shape_cast %broadcast_in_dim3A_667 : vector<16x1xi32> to vector<16xi32>
      %gather3A_669 = tpu.dynamic_gather %add3A_663[%gather3A_668] in [0] : vector<16xf32>, vector<16xi32> -> vector<16xf32>
      %add3A_670 = arith.addf %add3A_663, %gather3A_669 : vector<16xf32>
      %xor3A_671 = arith.constant 1 : i32
      %xor3A_672 = vector.broadcast %xor3A_671 : i32 to vector<16xi32>
      %xor3A_673 = arith.xori %iota3A, %xor3A_672 : vector<16xi32>
      %broadcast_in_dim3A_674 = vector.shape_cast %xor3A_673 : vector<16xi32> to vector<16x1xi32>
      %gather3A_675 = vector.shape_cast %broadcast_in_dim3A_674 : vector<16x1xi32> to vector<16xi32>
      %gather3A_676 = tpu.dynamic_gather %add3A_670[%gather3A_675] in [0] : vector<16xf32>, vector<16xi32> -> vector<16xf32>
      %add3A_677 = arith.addf %add3A_670, %gather3A_676 : vector<16xf32>
      %mul3A_678 = arith.mulf %add3A_677, %div3A_589 : vector<16xf32>
      %xor3A_679 = arith.constant 8 : i32
      %xor3A_680 = vector.broadcast %xor3A_679 : i32 to vector<16xi32>
      %xor3A_681 = arith.xori %iota3A, %xor3A_680 : vector<16xi32>
      %broadcast_in_dim3A_682 = vector.shape_cast %xor3A_681 : vector<16xi32> to vector<16x1xi32>
      %gather3A_683 = vector.shape_cast %broadcast_in_dim3A_682 : vector<16x1xi32> to vector<16xi32>
      %gather3A_684 = tpu.dynamic_gather %cond3A_587#0[%gather3A_683] in [0] : vector<16xf32>, vector<16xi32> -> vector<16xf32>
      %add3A_685 = arith.addf %cond3A_587#0, %gather3A_684 : vector<16xf32>
      %xor3A_686 = arith.constant 4 : i32
      %xor3A_687 = vector.broadcast %xor3A_686 : i32 to vector<16xi32>
      %xor3A_688 = arith.xori %iota3A, %xor3A_687 : vector<16xi32>
      %broadcast_in_dim3A_689 = vector.shape_cast %xor3A_688 : vector<16xi32> to vector<16x1xi32>
      %gather3A_690 = vector.shape_cast %broadcast_in_dim3A_689 : vector<16x1xi32> to vector<16xi32>
      %gather3A_691 = tpu.dynamic_gather %add3A_685[%gather3A_690] in [0] : vector<16xf32>, vector<16xi32> -> vector<16xf32>
      %add3A_692 = arith.addf %add3A_685, %gather3A_691 : vector<16xf32>
      %xor3A_693 = arith.constant 2 : i32
      %xor3A_694 = vector.broadcast %xor3A_693 : i32 to vector<16xi32>
      %xor3A_695 = arith.xori %iota3A, %xor3A_694 : vector<16xi32>
      %broadcast_in_dim3A_696 = vector.shape_cast %xor3A_695 : vector<16xi32> to vector<16x1xi32>
      %gather3A_697 = vector.shape_cast %broadcast_in_dim3A_696 : vector<16x1xi32> to vector<16xi32>
      %gather3A_698 = tpu.dynamic_gather %add3A_692[%gather3A_697] in [0] : vector<16xf32>, vector<16xi32> -> vector<16xf32>
      %add3A_699 = arith.addf %add3A_692, %gather3A_698 : vector<16xf32>
      %xor3A_700 = arith.constant 1 : i32
      %xor3A_701 = vector.broadcast %xor3A_700 : i32 to vector<16xi32>
      %xor3A_702 = arith.xori %iota3A, %xor3A_701 : vector<16xi32>
      %broadcast_in_dim3A_703 = vector.shape_cast %xor3A_702 : vector<16xi32> to vector<16x1xi32>
      %gather3A_704 = vector.shape_cast %broadcast_in_dim3A_703 : vector<16x1xi32> to vector<16xi32>
      %gather3A_705 = tpu.dynamic_gather %add3A_699[%gather3A_704] in [0] : vector<16xf32>, vector<16xi32> -> vector<16xf32>
      %add3A_706 = arith.addf %add3A_699, %gather3A_705 : vector<16xf32>
      %mul3A_707 = arith.mulf %add3A_706, %div3A_591 : vector<16xf32>
      %xor3A_708 = arith.constant 8 : i32
      %xor3A_709 = vector.broadcast %xor3A_708 : i32 to vector<16xi32>
      %xor3A_710 = arith.xori %iota3A, %xor3A_709 : vector<16xi32>
      %broadcast_in_dim3A_711 = vector.shape_cast %xor3A_710 : vector<16xi32> to vector<16x1xi32>
      %gather3A_712 = vector.shape_cast %broadcast_in_dim3A_711 : vector<16x1xi32> to vector<16xi32>
      %gather3A_713 = tpu.dynamic_gather %cond3A_587#1[%gather3A_712] in [0] : vector<16xf32>, vector<16xi32> -> vector<16xf32>
      %add3A_714 = arith.addf %cond3A_587#1, %gather3A_713 : vector<16xf32>
      %xor3A_715 = arith.constant 4 : i32
      %xor3A_716 = vector.broadcast %xor3A_715 : i32 to vector<16xi32>
      %xor3A_717 = arith.xori %iota3A, %xor3A_716 : vector<16xi32>
      %broadcast_in_dim3A_718 = vector.shape_cast %xor3A_717 : vector<16xi32> to vector<16x1xi32>
      %gather3A_719 = vector.shape_cast %broadcast_in_dim3A_718 : vector<16x1xi32> to vector<16xi32>
      %gather3A_720 = tpu.dynamic_gather %add3A_714[%gather3A_719] in [0] : vector<16xf32>, vector<16xi32> -> vector<16xf32>
      %add3A_721 = arith.addf %add3A_714, %gather3A_720 : vector<16xf32>
      %xor3A_722 = arith.constant 2 : i32
      %xor3A_723 = vector.broadcast %xor3A_722 : i32 to vector<16xi32>
      %xor3A_724 = arith.xori %iota3A, %xor3A_723 : vector<16xi32>
      %broadcast_in_dim3A_725 = vector.shape_cast %xor3A_724 : vector<16xi32> to vector<16x1xi32>
      %gather3A_726 = vector.shape_cast %broadcast_in_dim3A_725 : vector<16x1xi32> to vector<16xi32>
      %gather3A_727 = tpu.dynamic_gather %add3A_721[%gather3A_726] in [0] : vector<16xf32>, vector<16xi32> -> vector<16xf32>
      %add3A_728 = arith.addf %add3A_721, %gather3A_727 : vector<16xf32>
      %xor3A_729 = arith.constant 1 : i32
      %xor3A_730 = vector.broadcast %xor3A_729 : i32 to vector<16xi32>
      %xor3A_731 = arith.xori %iota3A, %xor3A_730 : vector<16xi32>
      %broadcast_in_dim3A_732 = vector.shape_cast %xor3A_731 : vector<16xi32> to vector<16x1xi32>
      %gather3A_733 = vector.shape_cast %broadcast_in_dim3A_732 : vector<16x1xi32> to vector<16xi32>
      %gather3A_734 = tpu.dynamic_gather %add3A_728[%gather3A_733] in [0] : vector<16xf32>, vector<16xi32> -> vector<16xf32>
      %add3A_735 = arith.addf %add3A_728, %gather3A_734 : vector<16xf32>
      %mul3A_736 = arith.mulf %add3A_735, %div3A_591 : vector<16xf32>
      %xor3A_737 = arith.constant 8 : i32
      %xor3A_738 = vector.broadcast %xor3A_737 : i32 to vector<16xi32>
      %xor3A_739 = arith.xori %iota3A, %xor3A_738 : vector<16xi32>
      %broadcast_in_dim3A_740 = vector.shape_cast %xor3A_739 : vector<16xi32> to vector<16x1xi32>
      %gather3A_741 = vector.shape_cast %broadcast_in_dim3A_740 : vector<16x1xi32> to vector<16xi32>
      %gather3A_742 = tpu.dynamic_gather %cond3A_587#2[%gather3A_741] in [0] : vector<16xf32>, vector<16xi32> -> vector<16xf32>
      %add3A_743 = arith.addf %cond3A_587#2, %gather3A_742 : vector<16xf32>
      %xor3A_744 = arith.constant 4 : i32
      %xor3A_745 = vector.broadcast %xor3A_744 : i32 to vector<16xi32>
      %xor3A_746 = arith.xori %iota3A, %xor3A_745 : vector<16xi32>
      %broadcast_in_dim3A_747 = vector.shape_cast %xor3A_746 : vector<16xi32> to vector<16x1xi32>
      %gather3A_748 = vector.shape_cast %broadcast_in_dim3A_747 : vector<16x1xi32> to vector<16xi32>
      %gather3A_749 = tpu.dynamic_gather %add3A_743[%gather3A_748] in [0] : vector<16xf32>, vector<16xi32> -> vector<16xf32>
      %add3A_750 = arith.addf %add3A_743, %gather3A_749 : vector<16xf32>
      %xor3A_751 = arith.constant 2 : i32
      %xor3A_752 = vector.broadcast %xor3A_751 : i32 to vector<16xi32>
      %xor3A_753 = arith.xori %iota3A, %xor3A_752 : vector<16xi32>
      %broadcast_in_dim3A_754 = vector.shape_cast %xor3A_753 : vector<16xi32> to vector<16x1xi32>
      %gather3A_755 = vector.shape_cast %broadcast_in_dim3A_754 : vector<16x1xi32> to vector<16xi32>
      %gather3A_756 = tpu.dynamic_gather %add3A_750[%gather3A_755] in [0] : vector<16xf32>, vector<16xi32> -> vector<16xf32>
      %add3A_757 = arith.addf %add3A_750, %gather3A_756 : vector<16xf32>
      %xor3A_758 = arith.constant 1 : i32
      %xor3A_759 = vector.broadcast %xor3A_758 : i32 to vector<16xi32>
      %xor3A_760 = arith.xori %iota3A, %xor3A_759 : vector<16xi32>
      %broadcast_in_dim3A_761 = vector.shape_cast %xor3A_760 : vector<16xi32> to vector<16x1xi32>
      %gather3A_762 = vector.shape_cast %broadcast_in_dim3A_761 : vector<16x1xi32> to vector<16xi32>
      %gather3A_763 = tpu.dynamic_gather %add3A_757[%gather3A_762] in [0] : vector<16xf32>, vector<16xi32> -> vector<16xf32>
      %add3A_764 = arith.addf %add3A_757, %gather3A_763 : vector<16xf32>
      %mul3A_765 = arith.mulf %add3A_764, %div3A_591 : vector<16xf32>
      %mul3A_766 = arith.constant 16 : i32
      %mul3A_767 = arith.muli %select_n3A_139, %mul3A_766 : i32
      %get3A_768 = arith.index_cast %mul3A_767 : i32 to index
      %get3A_769 = tpu.vector_load %arg17[%get3A_768] {strides = array<i32>} : memref<256xf32, #tpu.memory_space<vmem>>, vector<16xf32>,
      %select_n3A_770 = arith.select %eq3A_177, %mul3A_707, %get3A_769 : vector<16xi1>, vector<16xf32>
      %select_n3A_771 = arith.select %eq3A_157, %mul3A_620, %select_n3A_770 : vector<16xi1>, vector<16xf32>
      %mul3A_772 = arith.constant 16 : i32
      %mul3A_773 = arith.muli %select_n3A_139, %mul3A_772 : i32
      %swap3A = arith.index_cast %mul3A_773 : i32 to index
      %swap3A_774 = tpu.vector_load %arg17[%swap3A] {strides = array<i32>} : memref<256xf32, #tpu.memory_space<vmem>>, vector<16xf32>,
      tpu.vector_store %arg17[%swap3A], %select_n3A_771 {strides = array<i32>} : memref<256xf32, #tpu.memory_space<vmem>>, vector<16xf32>,
      %mul3A_775 = arith.constant 16 : i32
      %mul3A_776 = arith.muli %select_n3A_139, %mul3A_775 : i32
      %get3A_777 = arith.index_cast %mul3A_776 : i32 to index
      %get3A_778 = tpu.vector_load %arg18[%get3A_777] {strides = array<i32>} : memref<256xf32, #tpu.memory_space<vmem>>, vector<16xf32>,
      %select_n3A_779 = arith.select %eq3A_177, %mul3A_736, %get3A_778 : vector<16xi1>, vector<16xf32>
      %select_n3A_780 = arith.select %eq3A_157, %mul3A_649, %select_n3A_779 : vector<16xi1>, vector<16xf32>
      %mul3A_781 = arith.constant 16 : i32
      %mul3A_782 = arith.muli %select_n3A_139, %mul3A_781 : i32
      %swap3A_783 = arith.index_cast %mul3A_782 : i32 to index
      %swap3A_784 = tpu.vector_load %arg18[%swap3A_783] {strides = array<i32>} : memref<256xf32, #tpu.memory_space<vmem>>, vector<16xf32>,
      tpu.vector_store %arg18[%swap3A_783], %select_n3A_780 {strides = array<i32>} : memref<256xf32, #tpu.memory_space<vmem>>, vector<16xf32>,
      %mul3A_785 = arith.constant 16 : i32
      %mul3A_786 = arith.muli %select_n3A_139, %mul3A_785 : i32
      %get3A_787 = arith.index_cast %mul3A_786 : i32 to index
      %get3A_788 = tpu.vector_load %arg19[%get3A_787] {strides = array<i32>} : memref<256xf32, #tpu.memory_space<vmem>>, vector<16xf32>,
      %select_n3A_789 = arith.select %eq3A_177, %mul3A_765, %get3A_788 : vector<16xi1>, vector<16xf32>
      %select_n3A_790 = arith.select %eq3A_157, %mul3A_678, %select_n3A_789 : vector<16xi1>, vector<16xf32>
      %mul3A_791 = arith.constant 16 : i32
      %mul3A_792 = arith.muli %select_n3A_139, %mul3A_791 : i32
      %swap3A_793 = arith.index_cast %mul3A_792 : i32 to index
      %swap3A_794 = tpu.vector_load %arg19[%swap3A_793] {strides = array<i32>} : memref<256xf32, #tpu.memory_space<vmem>>, vector<16xf32>,
      tpu.vector_store %arg19[%swap3A_793], %select_n3A_790 {strides = array<i32>} : memref<256xf32, #tpu.memory_space<vmem>>, vector<16xf32>,
      %scan3A_795 = arith.constant 0 : i32
      scf.yield %scan3A_795 : i32
    }
    %scan3A_102 = arith.constant 128 : i32
    %mul3A_103 = arith.constant 2048 : i32
    %mul3A_104 = arith.muli %select_n3A, %mul3A_103 : i32
    %add3A_105 = arith.addi %mul3A_104, %mul3A_32 : i32
    %add3A_106 = arith.constant 0 : i32
    %add3A_107 = arith.addi %add3A_106, %add3A_105 : i32
    "tpu.region"() ({
      %run_scoped3A = tpu.sem_alloc : memref<!tpu.dma_semaphore, #tpu.memory_space<semaphore_mem>>
      %dma_start3A = tpu.memref_slice %arg5[%add3A_107] : memref<24576xf32, #tpu.memory_space<hbm>> -> memref<256xf32, #tpu.memory_space<hbm>>
      %dma_start3A_112 = tpu.memref_slice %arg5[%add3A_107] : memref<24576xf32, #tpu.memory_space<hbm>> -> memref<256xf32, #tpu.memory_space<hbm>>
      tpu.enqueue_dma source(%arg17 : memref<256xf32, #tpu.memory_space<vmem>>) target(%dma_start3A_112 : memref<256xf32, #tpu.memory_space<hbm>>) target_semaphore(%run_scoped3A : memref<!tpu.dma_semaphore, #tpu.memory_space<semaphore_mem>>)
      %dma_wait3A = tpu.memref_slice %arg5[%add3A_107] : memref<24576xf32, #tpu.memory_space<hbm>> -> memref<256xf32, #tpu.memory_space<hbm>>
      %dma_wait3A_113 = tpu.memref_slice %arg5[%add3A_107] : memref<24576xf32, #tpu.memory_space<hbm>> -> memref<256xf32, #tpu.memory_space<hbm>>
      tpu.wait_dma2 semaphore(%run_scoped3A : memref<!tpu.dma_semaphore, #tpu.memory_space<semaphore_mem>>) src(%arg17 : memref<256xf32, #tpu.memory_space<vmem>>) dst(%dma_wait3A_113 : memref<256xf32, #tpu.memory_space<hbm>>)
      tpu.yield
    }) : () -> ()
    %add3A_108 = arith.constant 8192 : i32
    %add3A_109 = arith.addi %add3A_108, %add3A_105 : i32
    "tpu.region"() ({
      %run_scoped3A = tpu.sem_alloc : memref<!tpu.dma_semaphore, #tpu.memory_space<semaphore_mem>>
      %dma_start3A = tpu.memref_slice %arg5[%add3A_109] : memref<24576xf32, #tpu.memory_space<hbm>> -> memref<256xf32, #tpu.memory_space<hbm>>
      %dma_start3A_112 = tpu.memref_slice %arg5[%add3A_109] : memref<24576xf32, #tpu.memory_space<hbm>> -> memref<256xf32, #tpu.memory_space<hbm>>
      tpu.enqueue_dma source(%arg18 : memref<256xf32, #tpu.memory_space<vmem>>) target(%dma_start3A_112 : memref<256xf32, #tpu.memory_space<hbm>>) target_semaphore(%run_scoped3A : memref<!tpu.dma_semaphore, #tpu.memory_space<semaphore_mem>>)
      %dma_wait3A = tpu.memref_slice %arg5[%add3A_109] : memref<24576xf32, #tpu.memory_space<hbm>> -> memref<256xf32, #tpu.memory_space<hbm>>
      %dma_wait3A_113 = tpu.memref_slice %arg5[%add3A_109] : memref<24576xf32, #tpu.memory_space<hbm>> -> memref<256xf32, #tpu.memory_space<hbm>>
      tpu.wait_dma2 semaphore(%run_scoped3A : memref<!tpu.dma_semaphore, #tpu.memory_space<semaphore_mem>>) src(%arg18 : memref<256xf32, #tpu.memory_space<vmem>>) dst(%dma_wait3A_113 : memref<256xf32, #tpu.memory_space<hbm>>)
      tpu.yield
    }) : () -> ()
    %add3A_110 = arith.constant 16384 : i32
    %add3A_111 = arith.addi %add3A_110, %add3A_105 : i32
    "tpu.region"() ({
      %run_scoped3A = tpu.sem_alloc : memref<!tpu.dma_semaphore, #tpu.memory_space<semaphore_mem>>
      %dma_start3A = tpu.memref_slice %arg5[%add3A_111] : memref<24576xf32, #tpu.memory_space<hbm>> -> memref<256xf32, #tpu.memory_space<hbm>>
      %dma_start3A_112 = tpu.memref_slice %arg5[%add3A_111] : memref<24576xf32, #tpu.memory_space<hbm>> -> memref<256xf32, #tpu.memory_space<hbm>>
      tpu.enqueue_dma source(%arg19 : memref<256xf32, #tpu.memory_space<vmem>>) target(%dma_start3A_112 : memref<256xf32, #tpu.memory_space<hbm>>) target_semaphore(%run_scoped3A : memref<!tpu.dma_semaphore, #tpu.memory_space<semaphore_mem>>)
      %dma_wait3A = tpu.memref_slice %arg5[%add3A_111] : memref<24576xf32, #tpu.memory_space<hbm>> -> memref<256xf32, #tpu.memory_space<hbm>>
      %dma_wait3A_113 = tpu.memref_slice %arg5[%add3A_111] : memref<24576xf32, #tpu.memory_space<hbm>> -> memref<256xf32, #tpu.memory_space<hbm>>
      tpu.wait_dma2 semaphore(%run_scoped3A : memref<!tpu.dma_semaphore, #tpu.memory_space<semaphore_mem>>) src(%arg19 : memref<256xf32, #tpu.memory_space<vmem>>) dst(%dma_wait3A_113 : memref<256xf32, #tpu.memory_space<hbm>>)
      tpu.yield
    }) : () -> ()
    return
  }
}

</mosaic_0001>

<sc_bundles>
// kernel: kernel.3.cloned.1.call-start
scs
__scs_entry_jumppad:
0x0: {  	(pc) =	sbr.rel $0x88, $3  }
0x1: {  	(tag) =	ssettag $0x0;
	lr =	simm.s32 $0x1  }
0x2: {  	[smem:$0x3F9E] =	sst lr;
	_ =	strace $0xD0000000  }
0x3: {  	_ = 	snop  }
0x4: {  	_ = 	snop  }
0x5: {  	_ = 	snop  }
0x6: {  	_ = 	snop  }
0x7: {  	_ = 	snop  }
__scs_overlays_trampoline_lowered:
0x8: {  	[smem:$0x3FAD] =	sst s0  }
0x9: {  	[smem:$0x3FAE] =	sst s1  }
0xa: {  	[smem:$0x3FAF] =	sst s2  }
0xb: {  	[smem:$0x3FB0] =	sst s3  }
0xc: {  	[smem:$0x3FB1] =	sst s4  }
0xd: {  	[smem:$0x3FB2] =	sst s5  }
0xe: {  	[smem:$0x3FB3] =	sst s6  }
0xf: {  	[smem:$0x3FB4] =	sst s7  }
0x10: {  	[smem:$0x3FB5] =	sst s8  }
0x11: {  	[smem:$0x3FB6] =	sst s9;
	s0 =	simm.s32 @!p0 $0x0  }
0x12: {  	s1 =	sld [smem:$0x3F9C];
	s0 =	simm.s32 @p0 $0x1  }
0x13: {  	[smem:$0x3FB7] =	sst s0;
	s0 =	simm.s32 @!p1 $0x0  }
0x14: {  	s2 =	sld [smem:$0x3F9B];
	s0 =	simm.s32 @p1 $0x1  }
0x15: {  	[smem:$0x3FB8] =	sst s0;
	s0 =	simm.s32 @!p2 $0x0  }
0x16: {  	s3 =	sld [smem:$0x3FDB];
	s0 =	simm.s32 @p2 $0x1  }
0x17: {  	s4 =	simm.s32 $0x1BF5;
	[smem:$0x3FBA] =	sst s0  }
0x18: {  	s0 =	sld [smem:$0x3F9D];
	_ =	swait.ge [sflag:s4], $0x0  }
0x19: {  	s7 =	sld [smem:$0x3F9E]  }
0x1a: {  	s8 =	sadd.s32 $0xFFFFE003, lr  }
0x1b: {  	s9 =	sadd.s32 $0xFFFFFEF7, lr;
	s5 =	simm.s32 $0xFFFFFFFF;
	p2 =	slt.u32 s8, $0xFFFFF086  }
0x1c: {  	p1 =	slt.u32 s9, $0xF7A;
	s5 =	simm.s32 @!p2 $0x0  }
0x1d: {  	s5 =	simm.s32 @p1 $0x1;
	p0 =	seq.s32 s7, s2  }
0x1e: {  	s7 =	smul.u32 @!p0 $0xF7A, s2;
	p2 =	seq.s32 @!p0 s5, $0x0  }
0x1f: {  	s9 =	smul.u32 $0xF7A, s1;
	s8 =	simm.s32 @!p0 $0x1BF5;
	p2 =	por !p2, p0  }
0x20: {  	[sflag:s8] =	ssyncset.s32 @!p0 $0xFFFFF086;
	s6 =	sadd.s32 @!p0 s3, s7;
	s7 =	simm.s32 @!p0 $0x108  }
0x21: {  	s3 =	sadd.s32 s3, s9;
	s6 =	sadd.s32 @!p0 $0x88, s6;
	s7 =	simm.s32 @p2 $0x1082  }
0x22: {  	[simem:s7], [sflag:s8] =	dma.local @!p0 [hbm:s6], $0xF7A  }
0x23: {  	s9 =	sor.u32 $0xD0000000, s2;
	s6 =	simm.s32 $0x108;
	_ =	swait.ge @!p0 [sflag:s8], $0x0  }
0x24: {  	s3 =	sadd.s32 $0x88, s3;
	s6 =	simm.s32 @!p1 $0x1082;
	[sflag:s4] =	ssyncset.s32 $0xFFFFF086  }
0x25: {  	[simem:s6], [sflag:s4] =	dma.local [hbm:s3], $0xF7A  }
0x26: {  	[smem:$0x3F9E] =	sst s1;
	(tag) =	ssettag s2;
	_ =	strace s9  }
0x27: {  	s1 =	sld [smem:$0x3FAE]  }
0x28: {  	s2 =	sld [smem:$0x3FAF]  }
0x29: {  	s4 =	sld [smem:$0x3FB1]  }
0x2a: {  	p0 =	seq.s32 s5, $0x0;
	s5 =	sld [smem:$0x3FB2]  }
0x2b: {  	s6 =	sld [smem:$0x3FB3]  }
0x2c: {  	s7 =	sld [smem:$0x3FB4]  }
0x2d: {  	s3 =	simm.s32 $0x108;
	s8 =	sld [smem:$0x3FB5]  }
0x2e: {  	s3 =	simm.s32 @!p0 $0x1082;
	s9 =	sld [smem:$0x3FB6]  }
0x2f: {  	lr =	sadd.s32 s0, s3;
	s0 =	sld [smem:$0x3FAD]  }
0x30: {  	s3 =	sld [smem:$0x3FB0]  }
0x31: {  	[smem:$0x3FB9] =	sst s10  }
0x32: {  	s10 =	sld [smem:$0x3FB7];
	_ =	sdelay $0x3  }
0x33: {  	p0 =	seq.s32 s10, $0x1;
	s10 =	sld [smem:$0x3FB9];
	_ =	sdelay $0x3  }
0x34: {  	[smem:$0x3FB9] =	sst s10  }
0x35: {  	s10 =	sld [smem:$0x3FB8];
	_ =	sdelay $0x3  }
0x36: {  	p1 =	seq.s32 s10, $0x1;
	s10 =	sld [smem:$0x3FB9];
	_ =	sdelay $0x3  }
0x37: {  	[smem:$0x3FB9] =	sst s10  }
0x38: {  	s10 =	sld [smem:$0x3FBA]  }
0x39: {  	_ = 	snop;
	(pc) =	sbr.ind lr, $3  }
0x3a: {  	_ = 	snop  }
0x3b: {  	_ = 	snop  }
0x3c: {  	p2 =	seq.s32 s10, $0x1;
	s10 =	sld [smem:$0x3FB9]  }
0x3d: {  	_ =	shalt  }
0x3e: {  	_ =	shalt  }
0x3f: {  	_ =	shalt  }
0x40: {  	_ =	shalt  }
0x41: {  	_ =	shalt  }
0x42: {  	_ =	shalt  }
0x43: {  	_ =	shalt  }
0x44: {  	_ =	shalt  }
0x45: {  	_ =	shalt  }
0x46: {  	_ =	shalt  }
0x47: {  	_ =	shalt  }
0x48: {  	_ =	shalt  }
0x49: {  	_ =	shalt  }
0x4a: {  	_ =	shalt  }
0x4b: {  	_ =	shalt  }
0x4c: {  	_ =	shalt  }
0x4d: {  	_ =	shalt  }
0x4e: {  	_ =	shalt  }
0x4f: {  	_ =	shalt  }
0x50: {  	_ =	shalt  }
0x51: {  	_ =	shalt  }
0x52: {  	_ =	shalt  }
0x53: {  	_ =	shalt  }
0x54: {  	_ =	shalt  }
0x55: {  	_ =	shalt  }
0x56: {  	_ =	shalt  }
0x57: {  	_ =	shalt  }
0x58: {  	_ =	shalt  }
0x59: {  	_ =	shalt  }
0x5a: {  	_ =	shalt  }
0x5b: {  	_ =	shalt  }
0x5c: {  	_ =	shalt  }
0x5d: {  	_ =	shalt  }
0x5e: {  	_ =	shalt  }
0x5f: {  	_ =	shalt  }
0x60: {  	_ =	shalt  }
0x61: {  	_ =	shalt  }
0x62: {  	_ =	shalt  }
0x63: {  	_ =	shalt  }
0x64: {  	_ =	shalt  }
0x65: {  	_ =	shalt  }
0x66: {  	_ =	shalt  }
0x67: {  	_ =	shalt  }
0x68: {  	_ =	shalt  }
0x69: {  	_ =	shalt  }
0x6a: {  	_ =	shalt  }
0x6b: {  	_ =	shalt  }
0x6c: {  	_ =	shalt  }
0x6d: {  	_ =	shalt  }
0x6e: {  	_ =	shalt  }
0x6f: {  	_ =	shalt  }
0x70: {  	_ =	shalt  }
0x71: {  	_ =	shalt  }
0x72: {  	_ =	shalt  }
0x73: {  	_ =	shalt  }
0x74: {  	_ =	shalt  }
0x75: {  	_ =	shalt  }
0x76: {  	_ =	shalt  }
0x77: {  	_ =	shalt  }
0x78: {  	_ =	shalt  }
0x79: {  	_ =	shalt  }
0x7a: {  	_ =	shalt  }
0x7b: {  	_ =	shalt  }
0x7c: {  	_ =	shalt  }
0x7d: {  	_ =	shalt  }
0x7e: {  	_ =	shalt  }
0x7f: {  	_ =	shalt  }
0x80: {  	_ =	shalt  }
0x81: {  	_ =	shalt  }
0x82: {  	_ =	shalt  }
0x83: {  	_ =	shalt  }
0x84: {  	_ =	shalt  }
0x85: {  	_ =	shalt  }
0x86: {  	_ =	shalt  }
0x87: {  	_ =	shalt  }
.Lfunc_end0:
.L_simem_size_0:
called_computation_lowered:
.L_overlay_start_0:
0x88: {  	s2 =	sld [smem:$0x3FD9]  }
0x89: {  	s3 =	sld [smem:$0x3FFE];
	_ =	sdelay $0x1  }
0x8a: {  	s1 =	srdreg.scid  }
0x8b: {  	s0 =	sand.u32 $0x1, s1  }
0x8c: {  	s17 =	sshll.u32 s0, $0xA;
	s2 =	sadd.s32 s3, s2  }
0x8d: {  	s2 =	sadd.s32 s2, s17  }
0x8e: {  	[smem:$0x3FC5] =	sst s2  }
0x8f: {  	_ = 	snop  }
0x90: {  	s2 =	sld [smem:$0x3FD0];
	(tm) =	ssettm $0x1  }
0x91: {  	s18 =	sld [smem:$0x3FFB];
	_ =	sdelay $0x3  }
0x92: {  	_ =	strace s18  }
0x93: {  	s3 =	sld [smem:$0x3FFC];
	_ =	sdelay $0x3  }
0x94: {  	_ =	strace s3  }
0x95: {  	s3 =	sld [smem:$0x3FFD];
	_ =	sdelay $0x3  }
0x96: {  	_ =	strace s3  }
0x97: {  	_ =	strace $0x8FFFFFFF  }
0x98: {  	s19 =	sld [smem:$0x3FDB];
	_ =	sdelay $0x1  }
0x99: {  	s4 =	simm.s32 $_scs_section_size  }
0x9a: {  	s5 =	simm.s32 $_size__tile_overlayer_lowered;
	s6 =	simm.s32 $_tile_overlayer_lowered  }
0x9b: {  	s22 =	simm.s32 $0x1BFF;
	s21 =	sshll.u32 s6, $0x1;
	s3 =	sadd.s32 s4, s19  }
0x9c: {  	s7 =	simm.s32 $0x0;
	s20 =	sshll.u32 s5, $0x1;
	s5 =	sadd.s32 s21, s3  }
0x9d: {  	[timem:s7], [sflag:s22] =	dma.local [hbm:s5], s20  }
0x9e: {  	_ =	swait.ge [sflag:s22], s20  }
0x9f: {  	s4 =	ssub.s32 $0x0, s20;
	[sflag:s22] =	ssyncset.done $0x0  }
0xa0: {  	[sflag:s22] =	ssyncadd.s32 s4;
	_ =	sdelay $0x1  }
0xa1: {  	s23 =	simm.s32 $0x1B8B  }
0xa2: {  	_ =	swait.ge [sflag:s23], $0x1  }
0xa3: {  	[sflag:s23] =	ssyncset.done $0x0  }
0xa4: {  	s25 =	simm.s32 $0x1B8E;
	s24 =	sld [smem:$0x3FFE];
	[sflag:s23] =	ssyncadd.s32 $0xFFFFFFFF  }
0xa5: {  	s26 =	simm.s32 $execute0_lowered;
	[smem:$0x3FD2] =	sst s25  }
0xa6: {  	s5 =	sshll.u32 s26, $0x1;
	_ =	strace $0x80000046;
	[dreg:$0x1] =	wrdreg $0xFFFFFFFF  }
0xa7: {  	s28 =	simm.s32 $_size_execute0_lowered;
	s3 =	sadd.s32 s3, s5;
	[dreg:$0x0] =	wrdreg $0x0  }
0xa8: {  	s5 =	sshll.u32 s28, $0x1;
	[dreg:$0x2] =	wrdreg s3  }
0xa9: {  	[dreg:$0x3] =	wrdreg s5  }
0xaa: {  	[dreg:$0x4] =	wrdreg $0xC0  }
0xab: {  	_ =	task [dreg:s7], $0x5FFFF  }
0xac: {  	[dreg:$0x1] =	wrdreg $0xFFFFFFFF  }
0xad: {  	[dreg:$0x0] =	wrdreg $0x60  }
0xae: {  	[dreg:$0x2] =	wrdreg s2  }
0xaf: {  	[dreg:$0x3] =	wrdreg s24  }
0xb0: {  	[dreg:$0x4] =	wrdreg $0x9  }
0xb1: {  	_ =	task.clear_ibuf [dreg:s7], $0x5FFFF;
	_ =	strace $0x90000046  }
0xb2: {  	s29 =	simm.s32 $0x9;
	_ =	strace $0x80000048  }
0xb3: {  	_ =	swait.ge [sflag:s29], $0x1  }
0xb4: {  	[sflag:s29] =	ssyncadd.s32 $0xFFFFFFFF  }
0xb5: {  	_ =	strace $0x90000048  }
0xb6: {  	_ =	sfence  }
0xb7: {  	s30 =	sld [smem:$0x0];
	_ =	sdelay $0x2  }
0xb8: {  	s31 =	sshll.u32 s1, $0xD;
	s1 =	sshrl.u32 s1, $0x2  }
0xb9: {  	s3 =	sand.u32 $0x4000, s31;
	s1 =	sadd.s32 s1, s30  }
0xba: {  	s0 =	sor.u32 s3, s0;
	s1 =	sshll.u32 s1, $0x11  }
0xbb: {  	s0 =	sor.u32 s1, s0  }
0xbc: {  	s0 =	sadd.s32 $0x8F2B, s0  }
0xbd: {  	[sflag:s0] =	ssyncadd.remote.s32 $0x1  }
0xbe: {  	_ =	sfence.sel $0xFFFF  }
0xbf: {  	[dreg:$0x0] =	wrdreg $0xFFFFFFFF;
	(pc) =	sbr.abs _section_cstart, $3  }
0xc0: {  	[dreg:$0x1] =	wrdreg $0xFFFFFFFF  }
0xc1: {  	_ =	task.clear_ibuf [dreg:s7], $0x2FFFF;
	_ =	strace $0x9FFFFFFF  }
0xc2: {  	(tm) =	ssettm $0x7FFFFFFF  }
0xc3: {  	_ =	shalt  }
tec
execute0_lowered:
.L_overlay_start_1:
0x0: {  	(tag) =	ssettag $0x1  }
0x1: {  	s0 =	srdreg.scid;
	s6 =	rddreg [dreg:$0x0]  }
0x2: {  	s2 =	stileid.u32;
	s3 =	rddreg [dreg:$0x1]  }
0x3: {  	s5 =	simm.s32 $0x1;
	s19 =	simm.s32 $0x1800;
	s20 =	simm.s32 $0x2000  }
0x4: {  	s21 =	simm.s32 $0x2800;
	s22 =	simm.s32 $0x3000;
	s23 =	simm.s32 $0x3100  }
0x5: {  	s24 =	simm.s32 $0x3200;
	s25 =	simm.s32 $0x4300;
	s0 =	sand.u32 $0x1, s0  }
0x6: {  	s28 =	simm.s32 $0x4500;
	s29 =	simm.s32 $0x0;
	s1 =	sshll.u32 s0, $0x4  }
0x7: {  	s4 =	sand.u32 $0x7, s2;
	s12 =	sadd.s32 $0x800, s3;
	s1 =	sor.u32 s2, s1  }
0x8: {  	s9 =	sadd.s32 $0x1400, s3;
	p1 =	sne.s32 s4, $0x0;
	p0 =	seq.s32 s1, $0x0  }
0x9: {  	s15 =	sadd.s32 $0x2000, s3;
	s3 =	simm.s32 $0x1;
	p0 =	por !p1, !p0  }
0xa: {  	s0 =	ssub.s32 $0x2, s0;
	s13 =	sshll.u32 s4, $0x8;
	p0 =	por !p0, !p0  }
0xb: {  	v0 =	vimm.s32 $0xFEDCBA98;
	s2 =	simm.s32 $0x0;
	s1 =	sshrl.u32 s1, $0x3;
	s5 =	simm.s32 @!p0 $0x0  }
0xc: {  	v1 =	vimm.s32 $0x76543210;
	v2 =	vimm.s32 $0xBA98FEDC;
	s26 =	sshrl.u32 s0, $0x1;
	[smem:$0x7FF] =	sst s2;
	s1 =	ssub.s32 s1, s5  }
0xd: {  	v3 =	vimm.s32 $0x32107654;
	v4 =	vimm.s32 $0xDCFE98BA;
	s0 =	ssub.s32 s0, s26;
	s8 =	smul.u32 $0x1800, s1;
	s1 =	sshll.u32 s1, $0xB  }
0xe: {  	v5 =	vimm.s32 $0x54761032;
	s26 =	simm.s32 $0x4400;
	_ =	strace $0x80000047;
	s1 =	sor.u32 s13, s1  }
0xf: {  	v6 =	vimm.s32 $0xEFCDAB89;
	v7 =	vimm.s32 $0x67452301;
	s11 =	sadd.s32 $0x800, s8;
	s7 =	sshrl.u32 s8, $0x3;
	s14 =	sadd.s32 $0x1000, s8  }
0x10: {  	v0 =	vunpack.c.l.s4.s8 v0;
	v1 =	vunpack.c.l.s4.s8 v1;
	v2 =	vunpack.c.l.s4.s8 v2;
	s17 =	sor.u32 s13, s8;
	s31 =	sadd.s32 $0x2000, s1;
	s10 =	sshrl.u32 s11, $0x3  }
0x11: {  	v3 =	vunpack.c.l.s4.s8 v3;
	v4 =	vunpack.c.l.s4.s8 v4;
	v5 =	vunpack.c.l.s4.s8 v5;
	s4 =	sadd.s32 s6, s7;
	s16 =	sshrl.u32 s14, $0x3;
	s7 =	sadd.s32 s9, s7  }
0x12: {  	v6 =	vunpack.c.l.s4.s8 v6;
	v7 =	vunpack.c.l.s4.s8 v7;
	v0 =	vunpack.c.0.s8.s32 v0;
	s30 =	sshrl.u32 s17, $0x3;
	s11 =	sor.u32 s13, s11;
	s14 =	sor.u32 s13, s14  }
0x13: {  	v2 =	vunpack.c.0.s8.s32 v2;
	v3 =	vunpack.c.0.s8.s32 v3;
	v4 =	vunpack.c.0.s8.s32 v4;
	s13 =	sshrl.u32 s1, $0x3;
	s1 =	sadd.s32 $0x4000, s1;
	s5 =	sadd.s32 s6, s10  }
.Ltmp0:
0x14: {  	v5 =	vunpack.c.0.s8.s32 v5;
	v6 =	vunpack.c.0.s8.s32 v6;
	v7 =	vunpack.c.0.s8.s32 v7;
	s6 =	sadd.s32 s6, s16;
	s8 =	sadd.s32 s9, s10;
	(pc) =	sbr.rel .LBB2_1-.Ltmp0, $4  }
0x15: {  	v1 =	vunpack.c.0.s8.s32 v1;
	v2 =	vcombine.low v3, v2;
	s9 =	sadd.s32 s9, s16;
	s10 =	sadd.s32 s12, s30;
	s11 =	sshrl.u32 s11, $0x3  }
0x16: {  	v3 =	vcombine.low v5, v4;
	v4 =	vand.u32 $0xF, v0;
	v5 =	vcombine.low v7, v6;
	s14 =	sshrl.u32 s14, $0x3;
	s13 =	sadd.s32 s15, s13;
	s1 =	sshrl.u32 s1, $0x3  }
0x17: {  	v0 =	vlaneseq.u32;
	v1 =	vcombine.low v4, v1;
	s11 =	sadd.s32 s12, s11;
	s12 =	sadd.s32 s12, s14;
	s14 =	sshrl.u32 s31, $0x3  }
0x18: {  	v2 =	vand.u32 $0xF, v2;
	v3 =	vand.u32 $0xF, v3;
	v4 =	vand.u32 $0xF, v5;
	s16 =	smax.u32 s0, $0x1;
	s14 =	sadd.s32 s15, s14;
	s15 =	sadd.s32 s15, s1  }
.LBB2_19:
0x19: {  	[hbm4b:s13+s2] =	stream.linear.scatter [tilespmem:s25], [sflag:$0x1], $0x100, $0x38;
	[tilespmem:$0x4600] =	vst v63  }
0x1a: {  	_ =	swait.ge [sflag:s3], $0x100  }
0x1b: {  	[sflag:s3] =	ssyncset.done $0x0  }
0x1c: {  	[sflag:s3] =	ssyncadd.s32 $0xFFFFFF00  }
0x1d: {  	[hbm4b:s14+s2] =	stream.linear.scatter [tilespmem:s26], [sflag:$0x1], $0x100, $0x38;
	[tilespmem:$0x4600] =	vst v63  }
0x1e: {  	s29 =	sadd.s32 $0x1, s29;
	_ =	swait.ge [sflag:s3], $0x100  }
0x1f: {  	p0 =	sne.s32 s29, s16;
	[sflag:s3] =	ssyncset.done $0x0  }
.Ltmp1:
0x20: {  	[sflag:s3] =	ssyncadd.s32 $0xFFFFFF00;
	(pc) =	sbr.rel @!p0 .LBB2_20-.Ltmp1, $4  }
0x21: {  	[hbm4b:s15+s2] =	stream.linear.scatter [tilespmem:s28], [sflag:$0x1], $0x100, $0x38;
	[tilespmem:$0x4600] =	vst v63  }
0x22: {  	_ =	swait.ge [sflag:s3], $0x100  }
0x23: {  	[sflag:s3] =	ssyncset.done $0x0  }
0x24: {  	[sflag:s3] =	ssyncadd.s32 $0xFFFFFF00  }
.LBB2_1:
0x25: {  	[tilespmem:s2], [sflag:$0x1] =	stream.linear.gather [hbm4b:s4+s2], $0x800, $0x38;
	[tilespmem:$0x4600] =	vst v63  }
0x26: {  	_ =	swait.ge [sflag:s3], $0x800  }
0x27: {  	[sflag:s3] =	ssyncset.done $0x0  }
0x28: {  	s0 =	simm.s32 $0x800;
	[sflag:s3] =	ssyncadd.s32 $0xFFFFF800  }
0x29: {  	[tilespmem:s0], [sflag:$0x1] =	stream.linear.gather [hbm4b:s5+s2], $0x800, $0x38;
	[tilespmem:$0x4600] =	vst v63  }
0x2a: {  	_ =	swait.ge [sflag:s3], $0x800  }
0x2b: {  	[sflag:s3] =	ssyncset.done $0x0  }
0x2c: {  	s31 =	simm.s32 $0x1000;
	[sflag:s3] =	ssyncadd.s32 $0xFFFFF800  }
0x2d: {  	[tilespmem:s31], [sflag:$0x1] =	stream.linear.gather [hbm4b:s6+s2], $0x800, $0x38;
	[tilespmem:$0x4600] =	vst v63  }
0x2e: {  	_ =	swait.ge [sflag:s3], $0x800  }
0x2f: {  	[sflag:s3] =	ssyncset.done $0x0  }
0x30: {  	[sflag:s3] =	ssyncadd.s32 $0xFFFFF800  }
0x31: {  	[tilespmem:s19], [sflag:$0x1] =	stream.linear.gather [hbm4b:s7+s2], $0x800, $0x38;
	[tilespmem:$0x4600] =	vst v63  }
0x32: {  	_ =	swait.ge [sflag:s3], $0x800  }
0x33: {  	[sflag:s3] =	ssyncset.done $0x0  }
0x34: {  	[sflag:s3] =	ssyncadd.s32 $0xFFFFF800  }
0x35: {  	[tilespmem:s20], [sflag:$0x1] =	stream.linear.gather [hbm4b:s8+s2], $0x800, $0x38;
	[tilespmem:$0x4600] =	vst v63  }
0x36: {  	_ =	swait.ge [sflag:s3], $0x800  }
0x37: {  	[sflag:s3] =	ssyncset.done $0x0  }
0x38: {  	[sflag:s3] =	ssyncadd.s32 $0xFFFFF800  }
0x39: {  	[tilespmem:s21], [sflag:$0x1] =	stream.linear.gather [hbm4b:s9+s2], $0x800, $0x38;
	[tilespmem:$0x4600] =	vst v63  }
0x3a: {  	_ =	swait.ge [sflag:s3], $0x800  }
0x3b: {  	[sflag:s3] =	ssyncset.done $0x0  }
0x3c: {  	[sflag:s3] =	ssyncadd.s32 $0xFFFFF800  }
0x3d: {  	[tilespmem:s22], [sflag:$0x1] =	stream.linear.gather [hbm4b:s10+s2], $0x100, $0x38;
	[tilespmem:$0x4600] =	vst v63  }
0x3e: {  	_ =	swait.ge [sflag:s3], $0x100  }
0x3f: {  	[sflag:s3] =	ssyncset.done $0x0  }
0x40: {  	[sflag:s3] =	ssyncadd.s32 $0xFFFFFF00  }
0x41: {  	[tilespmem:s23], [sflag:$0x1] =	stream.linear.gather [hbm4b:s11+s2], $0x100, $0x38;
	[tilespmem:$0x4600] =	vst v63  }
0x42: {  	_ =	swait.ge [sflag:s3], $0x100  }
0x43: {  	[sflag:s3] =	ssyncset.done $0x0  }
.Ltmp2:
0x44: {  	[sflag:s3] =	ssyncadd.s32 $0xFFFFFF00;
	(pc) =	sbr.rel .LBB2_2-.Ltmp2, $4  }
0x45: {  	[tilespmem:s24], [sflag:$0x1] =	stream.linear.gather [hbm4b:s12+s2], $0x100, $0x38;
	[tilespmem:$0x4600] =	vst v63  }
0x46: {  	_ =	swait.ge [sflag:s3], $0x100  }
0x47: {  	[sflag:s3] =	ssyncset.done $0x0  }
0x48: {  	s30 =	simm.s32 $0x0;
	[sflag:s3] =	ssyncadd.s32 $0xFFFFFF00  }
.LBB2_18:
0x49: {  	v5 =	vcvt.s32.f32 v5  }
0x4a: {  	v12 =	vcvt.s32.f32 v12;
	v44 =	vperm.xlane v9, v1  }
0x4b: {  	(erf) = vrcp.f32 v5;
	v5 =	vperm.xlane v7, v1  }
0x4c: {  	v13 =	vperm.xlane v11, v1;
	v14 =	vperm.xlane v10, v1  }
0x4d: {  	v9 =	vadd.f32 v44, v9;
	v5 =	vadd.f32 v5, v7;
	v7 =	vperm.xlane v8, v1  }
0x4e: {  	v45 =	vperm.xlane v6, v1;
	v11 =	vadd.f32 v13, v11;
	v10 =	vadd.f32 v14, v10  }
0x4f: {  	(erf) = vrcp.f32 v12;
	v46 =	vperm.xlane v5, v2;
	v7 =	vadd.f32 v7, v8  }
0x50: {  	v6 =	vadd.f32 v45, v6;
	v47 =	vperm.xlane v9, v2;
	v48 =	vperm.xlane v11, v2  }
0x51: {  	v14 =	vperm.xlane v10, v2;
	v5 =	vadd.f32 v46, v5;
	v49 =	vperm.xlane v7, v2  }
0x52: {  	v50 =	vperm.xlane v6, v2;
	v8 =	vadd.f32 v47, v9;
	v11 =	vadd.f32 v48, v11  }
0x53: {  	v10 =	vadd.f32 v14, v10;
	v51 =	vperm.xlane v5, v3;
	v7 =	vadd.f32 v49, v7  }
0x54: {  	v6 =	vadd.f32 v50, v6;
	v52 =	vperm.xlane v8, v3;
	v53 =	vperm.xlane v11, v3  }
0x55: {  	v14 =	vperm.xlane v10, v3;
	v5 =	vadd.f32 v51, v5;
	v54 =	vperm.xlane v7, v3  }
0x56: {  	v55 =	vperm.xlane v6, v3;
	v8 =	vadd.f32 v52, v8;
	v9 =	vadd.f32 v53, v11  }
0x57: {  	v10 =	vadd.f32 v14, v10;
	v56 =	vperm.xlane v5, v4;
	v7 =	vadd.f32 v54, v7  }
0x58: {  	v59 =	vld [tilespmem:s31+$0x4300];
	v6 =	vadd.f32 v55, v6;
	v57 =	vperm.xlane v8, v4;
	v58 =	vperm.xlane v9, v4  }
0x59: {  	v17 =	vld [tilespmem:s31+$0x4400];
	v15 =	vpop (erf);
	v16 =	vperm.xlane v10, v4;
	v5 =	vadd.f32 v56, v5;
	v60 =	vperm.xlane v7, v4  }
0x5a: {  	v62 =	vld [tilespmem:s31+$0x4500];
	v18 =	vpop (erf);
	v61 =	vperm.xlane v6, v4;
	v8 =	vadd.f32 v57, v8;
	v9 =	vadd.f32 v58, v9  }
0x5b: {  	s30 =	sadd.s32 $0x1, s30;
	v10 =	vadd.f32 v16, v10;
	v7 =	vadd.f32 v60, v7;
	v5 =	vmul.f32 v5, v18  }
0x5c: {  	p0 =	sne.s32 s30, $0x80;
	v6 =	vadd.f32 v61, v6;
	v8 =	vmul.f32 v8, v15;
	v9 =	vmul.f32 v9, v18  }
.Ltmp3:
0x5d: {  	v10 =	vmul.f32 v10, v15;
	v7 =	vmul.f32 v7, v18;
	v5 =	vsel vm1, v5, v59;
	(pc) =	sbr.rel @!p0 .LBB2_19-.Ltmp3, $4  }
0x5e: {  	v6 =	vmul.f32 v6, v15;
	v63 =	vsel vm1, v9, v17;
	v5 =	vsel vm0, v8, v5  }
0x5f: {  	[tilespmem:s31+$0x4300] =	vst v5;
	v5 =	vsel vm0, v10, v63;
	v7 =	vsel vm1, v7, v62  }
0x60: {  	[tilespmem:s31+$0x4400] =	vst v5;
	v5 =	vsel vm0, v6, v7  }
0x61: {  	[tilespmem:s31+$0x4500] =	vst v5  }
.LBB2_2:
0x62: {  	s0 =	sshll.u32 s30, $0x1  }
0x63: {  	s31 =	sand.u32 $0xF0, s0  }
0x64: {  	v5 =	vld [tilespmem:s31+$0x3000];
	_ =	sdelay $0x1  }
0x65: {  	s0 =	sand.u32 $0xE, s0  }
0x66: {  	v6 =	vmov s0  }
0x67: {  	vm0 =	veq.s32 v6, v0  }
0x68: {  	v7 =	vld [tilespmem:s31+$0x3100];
	v6 =	vnsel vm0, $0xFF800000, v5  }
0x69: {  	v8 =	vperm.xlane v6, v1;
	_ =	sdelay $0x1  }
0x6a: {  	v6 =	vmax.f32 v6, v8;
	v8 =	vld [tilespmem:s31+$0x3200]  }
0x6b: {  	s0 =	sor.u32 $0x1, s0;
	v9 =	vperm.xlane v6, v2  }
0x6c: {  	v11 =	vmov s0;
	v10 =	vnsel vm0, $0xFF800000, v7  }
0x6d: {  	vm1 =	veq.s32 v11, v0;
	v6 =	vmax.f32 v6, v9;
	v9 =	vperm.xlane v10, v1  }
0x6e: {  	v5 =	vnsel vm1, $0xFF800000, v5;
	v12 =	vperm.xlane v6, v3  }
0x6f: {  	v15 =	vperm.xlane v5, v1;
	v9 =	vmax.f32 v10, v9;
	v10 =	vnsel vm0, $0xFF800000, v8  }
0x70: {  	v6 =	vmax.f32 v6, v12;
	v12 =	vperm.xlane v10, v1  }
0x71: {  	v5 =	vmax.f32 v5, v15;
	v11 =	vperm.xlane v9, v2  }
0x72: {  	v15 =	vperm.xlane v5, v2;
	v8 =	vnsel vm1, $0xFF800000, v8;
	v10 =	vmax.f32 v10, v12  }
0x73: {  	v9 =	vmax.f32 v9, v11;
	v11 =	vperm.xlane v8, v1;
	v14 =	vperm.xlane v10, v2  }
0x74: {  	v7 =	vnsel vm1, $0xFF800000, v7;
	v15 =	vmax.f32 v5, v15;
	v12 =	vperm.xlane v9, v3  }
0x75: {  	v8 =	vmax.f32 v8, v11;
	v11 =	vperm.xlane v7, v1;
	v10 =	vmax.f32 v10, v14  }
0x76: {  	s1 =	simm.s32 $0x0;
	v14 =	vperm.xlane v8, v2;
	v9 =	vmax.f32 v9, v12;
	v12 =	vperm.xlane v10, v3  }
0x77: {  	v19 =	vld [tilespmem:s1+$0x800];
	v13 =	vperm.xlane v6, v4;
	v7 =	vmax.f32 v7, v11;
	v16 =	vperm.xlane v9, v4  }
0x78: {  	v8 =	vmax.f32 v8, v14;
	v10 =	vmax.f32 v10, v12;
	v12 =	vperm.xlane v7, v2  }
0x79: {  	v17 =	vld [tilespmem:s1+$0x10];
	v20 =	vperm.xlane v15, v3;
	v14 =	vperm.xlane v8, v3  }
0x7a: {  	v5 =	vmax.f32 v6, v13;
	v11 =	vld [tilespmem:s1+$0x1000];
	v6 =	vmax.f32 v9, v16;
	v12 =	vmax.f32 v7, v12  }
0x7b: {  	v18 =	vperm.xlane v10, v4;
	v8 =	vmax.f32 v8, v14;
	v14 =	vld [tilespmem:s1+$0x0];
	v13 =	vperm.xlane v12, v3  }
0x7c: {  	v22 =	vld [tilespmem:s1+$0x810];
	v9 =	vmax.f32 v15, v20;
	v16 =	vsub.f32 v19, v6;
	v21 =	vperm.xlane v8, v4  }
0x7d: {  	v7 =	vmax.f32 v10, v18;
	v10 =	vperm.xlane v9, v4;
	v12 =	vmax.f32 v12, v13  }
0x7e: {  	v16 =	vmul.f32 v16, v16;
	v8 =	vmax.f32 v8, v21;
	v13 =	vld [tilespmem:s1+$0x1010];
	v15 =	vperm.xlane v12, v4  }
0x7f: {  	v18 =	vsub.f32 v11, v7;
	v9 =	vmax.f32 v9, v10;
	v11 =	vsub.f32 v11, v8  }
0x80: {  	v20 =	vsub.f32 v14, v5;
	v10 =	vmax.f32 v12, v15;
	v12 =	vsub.f32 v17, v5  }
0x81: {  	s0 =	simm.s32 $0x20;
	v14 =	vsub.f32 v14, v9;
	v15 =	vsub.f32 v22, v6;
	v26 =	vmul.f32 v11, v11  }
0x82: {  	v24 =	vld [tilespmem:s0+$0x1000];
	v19 =	vsub.f32 v19, v10;
	v20 =	vmul.f32 v20, v20;
	v21 =	vmul.f32 v12, v12  }
0x83: {  	v23 =	vsub.f32 v13, v7;
	v15 =	vmul.f32 v15, v15;
	v25 =	vsub.f32 v13, v8;
	v13 =	vld [tilespmem:s0+$0x10]  }
0x84: {  	v14 =	vmul.f32 v14, v14;
	v12 =	vimm.f32 $+Inf;
	v20 =	vadd.f32 v16, v20;
	v16 =	vld [tilespmem:s0+$0x0]  }
0x85: {  	v19 =	vmul.f32 v19, v19;
	v11 =	vadd.f32 v15, v21;
	v15 =	vmul.f32 v23, v23;
	v21 =	vld [tilespmem:s0+$0x800]  }
0x86: {  	v27 =	vmul.f32 v25, v25;
	v23 =	vsub.f32 v22, v10;
	v25 =	vsub.f32 v17, v9;
	v22 =	vld [tilespmem:s0+$0x810]  }
0x87: {  	v17 =	vmul.f32 v18, v18;
	v18 =	vsub.f32 v24, v8;
	v14 =	vadd.f32 v19, v14  }
0x88: {  	v29 =	vld [tilespmem:s0+$0x1010];
	v11 =	vadd.f32 v15, v11;
	v15 =	vsub.f32 v24, v7;
	v23 =	vmul.f32 v23, v23  }
0x89: {  	v20 =	vadd.f32 v17, v20;
	v18 =	vmul.f32 v18, v18;
	v24 =	vsub.f32 v13, v5  }
0x8a: {  	v28 =	vsub.f32 v21, v6;
	v17 =	vsub.f32 v21, v10;
	v21 =	vmul.f32 v25, v25  }
0x8b: {  	v25 =	vsub.f32 v16, v5;
	v30 =	vmul.f32 v24, v24;
	v31 =	vsub.f32 v22, v6  }
0x8c: {  	v24 =	vmax.f32 v12, v20;
	v19 =	vmul.f32 v28, v28;
	v21 =	vadd.f32 v23, v21  }
0x8d: {  	v23 =	vmul.f32 v25, v25;
	v28 =	vsub.f32 v29, v7;
	v31 =	vmul.f32 v31, v31  }
0x8e: {  	[tilespmem:s1+$0x3310] =	vst v11;
	v29 =	vsub.f32 v29, v8;
	v25 =	vadd.f32 v26, v14;
	v26 =	vmin.f32 v12, v20  }
0x8f: {  	[tilespmem:s1+$0x3300] =	vst v20;
	v20 =	vimm.f32 $+Inf;
	v23 =	vadd.f32 v19, v23;
	v14 =	vadd.f32 v27, v21  }
0x90: {  	s17 =	simm.s32 $0x100;
	v27 =	vadd.f32 v31, v30;
	v19 =	vmul.f32 v29, v29;
	[tilespmem:s1+$0x3B00] =	vst v25;
	v21 =	vimm.f32 $+Inf  }
.LBB2_3:
0x91: {  	s18 =	sshra.s32 s17, $0x2;
	p0 =	sne.s32 s17, $0x1F80;
	s17 =	sadd.s32 $0x80, s17;
	v12 =	vmin.f32 v12, v24;
	v24 =	vmax.f32 v20, v25;
	v29 =	vmin.f32 v26, v11  }
0x92: {  	v28 =	vmul.f32 v28, v28;
	v31 =	vsub.f32 v22, v10;
	v20 =	vmin.f32 v20, v25;
	v30 =	vld [tilespmem:s18+$0x1000]  }
0x93: {  	v22 =	vsub.f32 v16, v9;
	v25 =	vsub.f32 v13, v9;
	v21 =	vmin.f32 v21, v24;
	v13 =	vld [tilespmem:s18+$0x10]  }
0x94: {  	v26 =	vmax.f32 v26, v11;
	v11 =	vmax.f32 v20, v14;
	v20 =	vmin.f32 v20, v14;
	v24 =	vld [tilespmem:s18+$0x800];
	[tilespmem:s1+$0x3B10] =	vst v14;
	s1 =	smov.u32 s0;
	s0 =	smov.u32 s18  }
0x95: {  	v32 =	vmul.f32 v22, v22;
	v21 =	vmin.f32 v21, v11;
	v14 =	vmul.f32 v15, v15;
	v16 =	vld [tilespmem:s0+$0x0]  }
0x96: {  	v12 =	vmin.f32 v12, v26;
	v11 =	vadd.f32 v28, v27;
	v27 =	vmul.f32 v31, v31;
	v22 =	vld [tilespmem:s0+$0x810]  }
0x97: {  	v15 =	vsub.f32 v30, v7;
	v26 =	vsub.f32 v30, v8;
	v30 =	vld [tilespmem:s0+$0x1010]  }
0x98: {  	v31 =	vadd.f32 v14, v23;
	v14 =	vmul.f32 v17, v17;
	v28 =	vsub.f32 v13, v5;
	[tilespmem:s1+$0x3310] =	vst v11  }
0x99: {  	v23 =	vsub.f32 v24, v6;
	v17 =	vsub.f32 v24, v10;
	v24 =	vmul.f32 v25, v25  }
0x9a: {  	v14 =	vadd.f32 v14, v32;
	v25 =	vsub.f32 v16, v5;
	v33 =	vmul.f32 v28, v28;
	[tilespmem:s1+$0x3300] =	vst v31  }
.Ltmp4:
0x9b: {  	v23 =	vmul.f32 v23, v23;
	v32 =	vsub.f32 v22, v6;
	v27 =	vadd.f32 v27, v24;
	(pc) =	sbr.rel @p0 .LBB2_3-.Ltmp4, $4  }
0x9c: {  	v24 =	vmax.f32 v29, v31;
	v34 =	vmul.f32 v25, v25;
	v28 =	vsub.f32 v30, v7  }
0x9d: {  	v30 =	vsub.f32 v30, v8;
	v25 =	vadd.f32 v18, v14;
	v32 =	vmul.f32 v32, v32  }
0x9e: {  	v18 =	vmul.f32 v26, v26;
	v14 =	vadd.f32 v19, v27;
	v23 =	vadd.f32 v23, v34  }
0x9f: {  	v26 =	vmin.f32 v29, v31;
	v19 =	vmul.f32 v30, v30;
	v27 =	vadd.f32 v32, v33;
	[tilespmem:s1+$0x3B00] =	vst v25  }
0xa0: {  	v5 =	vsub.f32 v16, v9;
	v6 =	vsub.f32 v22, v10  }
0xa1: {  	v7 =	vsub.f32 v13, v9;
	v8 =	vmul.f32 v15, v15;
	v9 =	vmul.f32 v17, v17  }
0xa2: {  	v10 =	vmul.f32 v28, v28;
	v5 =	vmul.f32 v5, v5  }
0xa3: {  	v6 =	vmul.f32 v6, v6;
	v7 =	vmul.f32 v7, v7  }
0xa4: {  	v8 =	vadd.f32 v8, v23;
	v5 =	vadd.f32 v9, v5  }
0xa5: {  	v10 =	vadd.f32 v10, v27;
	v6 =	vadd.f32 v6, v7  }
0xa6: {  	v9 =	vmin.f32 v26, v11;
	v7 =	vmin.f32 v20, v25;
	v5 =	vadd.f32 v18, v5  }
0xa7: {  	v13 =	vmin.f32 v7, v14;
	v15 =	vmin.f32 v9, v8;
	v6 =	vadd.f32 v19, v6  }
0xa8: {  	v16 =	vmin.f32 v15, v10;
	v17 =	vmin.f32 v13, v5  }
0xa9: {  	v19 =	vperm.xlane v16, v1;
	v18 =	vmin.f32 v17, v6  }
0xaa: {  	v22 =	vperm.xlane v18, v1  }
0xab: {  	v19 =	vmin.f32 v16, v19  }
0xac: {  	v23 =	vperm.xlane v19, v2;
	v22 =	vmin.f32 v18, v22  }
0xad: {  	v20 =	vmax.f32 v20, v25;
	v63 =	vperm.xlane v22, v2  }
0xae: {  	v12 =	vmin.f32 v12, v24;
	v20 =	vmin.f32 v21, v20;
	v19 =	vmin.f32 v19, v23  }
0xaf: {  	v7 =	vmax.f32 v7, v14;
	v21 =	vperm.xlane v19, v3;
	v22 =	vmin.f32 v22, v63  }
0xb0: {  	v11 =	vmax.f32 v26, v11;
	v7 =	vmin.f32 v20, v7;
	v20 =	vperm.xlane v22, v3  }
0xb1: {  	v11 =	vmin.f32 v12, v11;
	v9 =	vmax.f32 v9, v8;
	v12 =	vmin.f32 v19, v21  }
0xb2: {  	v13 =	vmax.f32 v13, v5;
	v19 =	vperm.xlane v12, v4;
	v20 =	vmin.f32 v22, v20  }
0xb3: {  	v9 =	vmin.f32 v11, v9;
	v7 =	vmin.f32 v7, v13;
	v11 =	vperm.xlane v20, v4  }
0xb4: {  	v13 =	vmax.f32 v15, v10;
	v15 =	vmax.f32 v17, v6;
	v12 =	vmin.f32 v12, v19  }
0xb5: {  	v9 =	vmin.f32 v9, v13;
	vm2 =	veq.f32 v16, v12;
	v11 =	vmin.f32 v20, v11  }
0xb6: {  	v7 =	vmin.f32 v7, v15;
	v12 =	vsel vm2, v9, v16;
	vm3 =	veq.f32 v18, v11  }
0xb7: {  	v11 =	vperm.xlane v12, v1;
	v13 =	vsel vm3, v7, v18  }
0xb8: {  	v15 =	vperm.xlane v13, v1  }
0xb9: {  	v11 =	vmin.f32 v12, v11  }
0xba: {  	v16 =	vperm.xlane v11, v2;
	v15 =	vmin.f32 v13, v15  }
0xbb: {  	v17 =	vperm.xlane v15, v2  }
0xbc: {  	v11 =	vmin.f32 v11, v16  }
0xbd: {  	v16 =	vperm.xlane v11, v3;
	v15 =	vmin.f32 v15, v17  }
0xbe: {  	v17 =	vperm.xlane v15, v3  }
0xbf: {  	v11 =	vmin.f32 v11, v16  }
0xc0: {  	v16 =	vperm.xlane v11, v4;
	v15 =	vmin.f32 v15, v17  }
0xc1: {  	v17 =	vperm.xlane v15, v4  }
0xc2: {  	v11 =	vmin.f32 v11, v16  }
0xc3: {  	v9 =	vsel vm2, $0x7F800000, v9;
	vm2 =	veq.f32 v12, v11;
	v11 =	vmin.f32 v15, v17  }
0xc4: {  	[tilespmem:s1+$0x3B10] =	vst v14;
	v7 =	vsel vm3, $0x7F800000, v7;
	v9 =	vsel vm2, v9, v12;
	vm2 =	veq.f32 v13, v11  }
0xc5: {  	[tilespmem:s0+$0x3310] =	vst v10;
	v11 =	vperm.xlane v9, v1;
	v7 =	vsel vm2, v7, v13  }
0xc6: {  	[tilespmem:s0+$0x3300] =	vst v8;
	v10 =	vperm.xlane v7, v1  }
0xc7: {  	[tilespmem:s0+$0x3B00] =	vst v5;
	v8 =	vmin.f32 v9, v11  }
0xc8: {  	s18 =	simm.s32 $0x0;
	[tilespmem:s0+$0x3B10] =	vst v6;
	v5 =	vperm.xlane v8, v2;
	v7 =	vmin.f32 v7, v10  }
0xc9: {  	v6 =	vld [tilespmem:s18+$0x2810];
	v9 =	vperm.xlane v7, v2  }
0xca: {  	v14 =	vld [tilespmem:s18+$0x3B00];
	v5 =	vmin.f32 v8, v5  }
0xcb: {  	v13 =	vld [tilespmem:s18+$0x3B10];
	v8 =	vperm.xlane v5, v3;
	v7 =	vmin.f32 v7, v9  }
0xcc: {  	v11 =	vld [tilespmem:s18+$0x3310];
	v10 =	vperm.xlane v7, v3  }
0xcd: {  	v19 =	vimm.f32 $0.0e+00;
	v9 =	vld [tilespmem:s18+$0x2010];
	v5 =	vmin.f32 v5, v8  }
0xce: {  	v23 =	vld [tilespmem:s18+$0x3300];
	v20 =	vimm.s32 $0x0;
	v8 =	vperm.xlane v5, v4;
	v7 =	vmin.f32 v7, v10  }
0xcf: {  	v21 =	vld [tilespmem:s18+$0x1800];
	v18 =	vimm.f32 $0.0e+00;
	v16 =	vimm.f32 $0.0e+00;
	v10 =	vperm.xlane v7, v4  }
0xd0: {  	v17 =	vld [tilespmem:s18+$0x2800];
	v15 =	vimm.f32 $0.0e+00;
	v5 =	vmin.f32 v5, v8;
	v8 =	vimm.s32 $0x0  }
0xd1: {  	v22 =	vld [tilespmem:s18+$0x2000];
	vm2 =	vle.f32 v11, v5;
	v12 =	vmin.f32 v7, v10;
	v7 =	vimm.f32 $0.0e+00  }
0xd2: {  	v10 =	vnsel vm2, $0x0, v9;
	vm3 =	vle.f32 v13, v12;
	vm4 =	vle.f32 v14, v12  }
0xd3: {  	s0 =	simm.s32 $0x80;
	v13 =	vld [tilespmem:s18+$0x1810];
	v14 =	vimm.f32 $0.0e+00;
	v11 =	vnsel vm3, $0x0, v9;
	v9 =	vnsel vm3, $0x0, v6  }
.LBB2_5:
0xd4: {  	s1 =	sshra.s32 s0, $0x2;
	p0 =	sne.s32 s0, $0x1F80;
	s0 =	sadd.s32 $0x80, s0;
	vm5 =	vle.f32 v23, v5;
	v23 =	vmpcnt.ones.xlane vm4;
	v24 =	vnsel vm2, $0x0, v6  }
0xd5: {  	v27 =	vnsel vm4, $0x0, v17;
	v28 =	vmpcnt.ones.xlane vm3;
	v25 =	vld [tilespmem:s1+$0x2800];
	v26 =	vnsel vm5, $0x0, v21  }
0xd6: {  	v17 =	vnsel vm5, $0x0, v17;
	v6 =	vld [tilespmem:s1+$0x2810];
	v29 =	vnsel vm5, $0x0, v22;
	v22 =	vnsel vm4, $0x0, v22  }
0xd7: {  	v32 =	vmpcnt.ones.xlane vm2;
	v31 =	vmpcnt.ones.xlane vm5;
	v21 =	vnsel vm4, $0x0, v21;
	v30 =	vld [tilespmem:s1+$0x2010]  }
0xd8: {  	v7 =	vadd.f32 v21, v7;
	v8 =	vadd.s32 v8, v23;
	v33 =	vld [tilespmem:s1+$0x3310];
	v21 =	vnsel vm3, $0x0, v13  }
0xd9: {  	v18 =	vadd.f32 v27, v18;
	v16 =	vadd.f32 v17, v16;
	v23 =	vadd.s32 v20, v31;
	v34 =	vld [tilespmem:s1+$0x3B10]  }
0xda: {  	v19 =	vadd.f32 v29, v19;
	v20 =	vadd.s32 v32, v23;
	v7 =	vadd.f32 v21, v7;
	v27 =	vld [tilespmem:s1+$0x3B00];
	v17 =	vmovc v25  }
.Ltmp5:
0xdb: {  	v15 =	vadd.f32 v26, v15;
	v8 =	vadd.s32 v28, v8;
	v16 =	vadd.f32 v24, v16;
	v23 =	vld [tilespmem:s1+$0x3300];
	(pc) =	sbr.rel @p0 .LBB2_5-.Ltmp5, $4  }
0xdc: {  	v14 =	vadd.f32 v22, v14;
	v18 =	vadd.f32 v9, v18;
	v13 =	vnsel vm2, $0x0, v13;
	v21 =	vld [tilespmem:s1+$0x1800]  }
0xdd: {  	v15 =	vadd.f32 v13, v15;
	v19 =	vadd.f32 v10, v19;
	v22 =	vld [tilespmem:s1+$0x2000];
	vm2 =	vle.f32 v33, v5  }
0xde: {  	v14 =	vadd.f32 v11, v14;
	v10 =	vnsel vm2, $0x0, v30;
	vm3 =	vle.f32 v34, v12  }
0xdf: {  	vm4 =	vle.f32 v27, v12;
	v13 =	vld [tilespmem:s1+$0x1810];
	v11 =	vnsel vm3, $0x0, v30;
	v9 =	vnsel vm3, $0x0, v6  }
0xe0: {  	vm5 =	vle.f32 v23, v5  }
0xe1: {  	v5 =	vmpcnt.ones.xlane vm5  }
0xe2: {  	v12 =	vmpcnt.ones.xlane vm2  }
0xe3: {  	v5 =	vadd.s32 v20, v5  }
0xe4: {  	v5 =	vadd.s32 v12, v5  }
0xe5: {  	v12 =	vxor.u32 $0x80000000, v5  }
0xe6: {  	(xrf0) =	vmax.scan.msk.u32 $0xffff, v12;
	_ =	sdelay $0x5  }
0xe7: {  	v12, _, _ =	vpop (xrf0)  }
0xe8: {  	(v2sf) =	vpush v12, $0xF;
	_ =	sdelay $0xc  }
0xe9: {  	v6 =	vnsel vm2, $0x0, v6  }
0xea: {  	v59 =	vnsel vm4, $0x0, v17;
	v24 =	vmpcnt.ones.xlane vm3;
	v58 =	vnsel vm5, $0x0, v21  }
0xeb: {  	v60 =	vnsel vm5, $0x0, v17;
	v61 =	vnsel vm4, $0x0, v21;
	v18 =	vadd.f32 v59, v18;
	s0 =	spop (v2sf)  }
0xec: {  	v25 =	vnsel vm5, $0x0, v22;
	v7 =	vadd.f32 v61, v7;
	v16 =	vadd.f32 v60, v16;
	p0 =	seq.s32 s0, $0x80000003  }
.Ltmp6:
0xed: {  	v63 =	vnsel vm4, $0x0, v22;
	v15 =	vadd.f32 v58, v15;
	v19 =	vadd.f32 v25, v19;
	(pc) =	sbr.rel @p0 .LBB2_12-.Ltmp6, $4  }
0xee: {  	v14 =	vadd.f32 v63, v14;
	v62 =	vnsel vm3, $0x0, v13;
	v12 =	vmpcnt.ones.xlane vm4  }
0xef: {  	v6 =	vadd.f32 v6, v16;
	v13 =	vnsel vm2, $0x0, v13;
	v7 =	vadd.f32 v62, v7  }
0xf0: {  	v10 =	vadd.f32 v10, v19;
	v11 =	vadd.f32 v11, v14;
	v12 =	vadd.s32 v8, v12  }
0xf1: {  	v8 =	vadd.f32 v9, v18;
	v9 =	vadd.f32 v13, v15;
	v12 =	vadd.s32 v24, v12  }
0xf2: {  	s0 =	simm.s32 $0x0  }
0xf3: {  	v5 =	vld [tilespmem:s0+$0x3300]  }
0xf4: {  	v15 =	vld [tilespmem:s0+$0x3310];
	_ =	sdelay $0x2  }
0xf5: {  	v10 =	vimm.f32 $+Inf  }
0xf6: {  	s1 =	simm.s32 $0x20;
	v9 =	vmax.f32 v10, v5;
	v14 =	vmin.f32 v10, v5  }
0xf7: {  	v6 =	vld [tilespmem:s1+$0x3300];
	v5 =	vmax.f32 v10, v9;
	v16 =	vmin.f32 v10, v9;
	v17 =	vmax.f32 v14, v15  }
0xf8: {  	s0 =	simm.s32 $0x100;
	v9 =	vld [tilespmem:s1+$0x3310];
	v10 =	vmin.f32 v10, v5;
	v13 =	vmax.f32 v16, v17;
	v5 =	vmin.f32 v16, v17  }
.LBB2_8:
0xf9: {  	p0 =	sne.s32 s0, $0x1F80;
	v14 =	vmin.f32 v14, v15;
	v10 =	vmin.f32 v10, v13;
	s1 =	smov.u32 s0;
	s0 =	sadd.s32 $0x80, s0  }
.Ltmp7:
0xfa: {  	(pc) =	sbr.rel @p0 .LBB2_8-.Ltmp7, $4  }
0xfb: {  	_ = 	snop  }
0xfc: {  	s1 =	sshra.s32 s1, $0x2;
	v13 =	vmax.f32 v14, v6;
	v14 =	vmin.f32 v14, v6  }
0xfd: {  	v6 =	vld [tilespmem:s1+$0x3300];
	v16 =	vmax.f32 v5, v13;
	v5 =	vmin.f32 v5, v13;
	v17 =	vmax.f32 v14, v9;
	v15 =	vmovc v9  }
0xfe: {  	v9 =	vld [tilespmem:s1+$0x3310];
	v10 =	vmin.f32 v10, v16;
	v13 =	vmax.f32 v5, v17;
	v5 =	vmin.f32 v5, v17  }
0xff: {  	_ =	sdelay $0x1  }
0x100: {  	v14 =	vmin.f32 v14, v15  }
0x101: {  	v15 =	vmin.f32 v14, v6  }
0x102: {  	v16 =	vmin.f32 v15, v9  }
0x103: {  	v17 =	vperm.xlane v16, v1;
	_ =	sdelay $0x1  }
0x104: {  	v17 =	vmin.f32 v16, v17  }
0x105: {  	v18 =	vperm.xlane v17, v2;
	_ =	sdelay $0x1  }
0x106: {  	v17 =	vmin.f32 v17, v18  }
0x107: {  	v18 =	vperm.xlane v17, v3;
	_ =	sdelay $0x1  }
0x108: {  	v17 =	vmin.f32 v17, v18  }
0x109: {  	v18 =	vperm.xlane v17, v4  }
0x10a: {  	v6 =	vmax.f32 v14, v6  }
0x10b: {  	v14 =	vmin.f32 v5, v6;
	v9 =	vmax.f32 v15, v9;
	v15 =	vmin.f32 v17, v18  }
0x10c: {  	v17 =	vmin.f32 v14, v9;
	vm2 =	veq.f32 v16, v15  }
0x10d: {  	v15 =	vsel vm2, v17, v16  }
0x10e: {  	v16 =	vperm.xlane v15, v1;
	_ =	sdelay $0x1  }
0x10f: {  	v16 =	vmin.f32 v15, v16  }
0x110: {  	v18 =	vperm.xlane v16, v2;
	_ =	sdelay $0x1  }
0x111: {  	v16 =	vmin.f32 v16, v18  }
0x112: {  	v18 =	vperm.xlane v16, v3;
	_ =	sdelay $0x1  }
0x113: {  	v16 =	vmin.f32 v16, v18  }
0x114: {  	v10 =	vmin.f32 v10, v13;
	v5 =	vmax.f32 v5, v6;
	v6 =	vperm.xlane v16, v4  }
0x115: {  	v5 =	vmin.f32 v10, v5;
	v9 =	vmax.f32 v14, v9  }
0x116: {  	v5 =	vmin.f32 v5, v9;
	v6 =	vmin.f32 v16, v6  }
0x117: {  	v5 =	vsel vm2, v5, v17;
	vm2 =	veq.f32 v15, v6  }
0x118: {  	v5 =	vsel vm2, v5, v15  }
0x119: {  	v6 =	vperm.xlane v5, v1;
	_ =	sdelay $0x1  }
0x11a: {  	v5 =	vmin.f32 v5, v6  }
0x11b: {  	s1 =	simm.s32 $0x0;
	v6 =	vperm.xlane v5, v2  }
0x11c: {  	v19 =	vld [tilespmem:s1+$0x2000]  }
0x11d: {  	v9 =	vld [tilespmem:s1+$0x3310];
	v5 =	vmin.f32 v5, v6  }
0x11e: {  	v18 =	vld [tilespmem:s1+$0x1800];
	v6 =	vperm.xlane v5, v3  }
0x11f: {  	v15 =	vld [tilespmem:s1+$0x1810]  }
0x120: {  	v5 =	vmin.f32 v5, v6;
	v6 =	vld [tilespmem:s1+$0x3300]  }
0x121: {  	v16 =	vld [tilespmem:s1+$0x2010];
	v10 =	vperm.xlane v5, v4  }
0x122: {  	v20 =	vld [tilespmem:s1+$0x2800]  }
0x123: {  	s0 =	simm.s32 $0x20;
	v14 =	vld [tilespmem:s1+$0x2810];
	v5 =	vmin.f32 v5, v10  }
0x124: {  	v22 =	vimm.f32 $0.0e+00;
	v10 =	vld [tilespmem:s0+$0x1810];
	vm2 =	vle.f32 v9, v5  }
0x125: {  	v13 =	vimm.s32 $0x0;
	v9 =	vld [tilespmem:s0+$0x2010];
	vm3 =	vle.f32 v6, v5;
	v17 =	vnsel vm2, $0x0, v15  }
0x126: {  	v6 =	vld [tilespmem:s0+$0x1800];
	v21 =	vnsel vm3, $0x0, v18;
	v24 =	vnsel vm3, $0x0, v19;
	v18 =	vnsel vm2, $0x0, v16  }
0x127: {  	v15 =	vld [tilespmem:s0+$0x3310];
	v20 =	vnsel vm3, $0x0, v20;
	v23 =	vmpcnt.ones.xlane vm3;
	v19 =	vadd.f32 v21, v22  }
0x128: {  	s1 =	simm.s32 $0x100;
	v16 =	vld [tilespmem:s0+$0x3300];
	v21 =	vadd.f32 v24, v22;
	v22 =	vadd.f32 v20, v22;
	v20 =	vmpcnt.ones.xlane vm2  }
.LBB2_10:
0x129: {  	p0 =	sne.s32 s1, $0x1F80;
	v24 =	vld [tilespmem:s0+$0x2000];
	v13 =	vadd.s32 v13, v23;
	v19 =	vadd.f32 v17, v19;
	v14 =	vnsel vm2, $0x0, v14  }
0x12a: {  	s17 =	sshra.s32 s1, $0x2;
	v23 =	vld [tilespmem:s0+$0x2800];
	v21 =	vadd.f32 v18, v21;
	v22 =	vadd.f32 v14, v22;
	v13 =	vadd.s32 v20, v13;
	v18 =	vmovc v9  }
0x12b: {  	v25 =	vld [tilespmem:s17+$0x1810]  }
.Ltmp8:
0x12c: {  	vm2 =	vle.f32 v15, v5;
	v14 =	vld [tilespmem:s0+$0x2810];
	s0 =	smov.u32 s17;
	(pc) =	sbr.rel @p0 .LBB2_10-.Ltmp8, $4  }
0x12d: {  	v9 =	vld [tilespmem:s0+$0x2010];
	vm3 =	vle.f32 v16, v5;
	v17 =	vnsel vm2, $0x0, v10  }
0x12e: {  	v18 =	vnsel vm2, $0x0, v18;
	v26 =	vnsel vm3, $0x0, v6;
	v6 =	vld [tilespmem:s0+$0x1800];
	v20 =	vnsel vm3, $0x0, v24  }
0x12f: {  	v15 =	vld [tilespmem:s0+$0x3310];
	v19 =	vadd.f32 v26, v19;
	v24 =	vnsel vm3, $0x0, v23;
	v23 =	vmpcnt.ones.xlane vm3  }
0x130: {  	s1 =	sadd.s32 $0x80, s1;
	v21 =	vadd.f32 v20, v21;
	v20 =	vmpcnt.ones.xlane vm2;
	v16 =	vld [tilespmem:s0+$0x3300];
	v22 =	vadd.f32 v24, v22;
	v10 =	vmovc v25  }
0x131: {  	v24 =	vld [tilespmem:s0+$0x2000]  }
0x132: {  	v25 =	vld [tilespmem:s0+$0x2800]  }
0x133: {  	v13 =	vadd.s32 v13, v23;
	v17 =	vadd.f32 v17, v19;
	v14 =	vnsel vm2, $0x0, v14  }
0x134: {  	v18 =	vadd.f32 v18, v21;
	v14 =	vadd.f32 v14, v22;
	vm2 =	vle.f32 v15, v5;
	v15 =	vld [tilespmem:s0+$0x2810]  }
0x135: {  	v13 =	vadd.s32 v20, v13;
	vm3 =	vle.f32 v16, v5;
	v5 =	vnsel vm2, $0x0, v10  }
0x136: {  	v61 =	vnsel vm2, $0x0, v9;
	v6 =	vnsel vm3, $0x0, v6;
	v10 =	vnsel vm3, $0x0, v24  }
0x137: {  	v9 =	vnsel vm3, $0x0, v25;
	v62 =	vmpcnt.ones.xlane vm3;
	v6 =	vadd.f32 v6, v17  }
0x138: {  	v63 =	vmpcnt.ones.xlane vm2;
	v10 =	vadd.f32 v10, v18;
	v14 =	vadd.f32 v9, v14  }
0x139: {  	v13 =	vadd.s32 v13, v62;
	v9 =	vadd.f32 v5, v6;
	v5 =	vnsel vm2, $0x0, v15  }
0x13a: {  	v10 =	vadd.f32 v61, v10;
	v6 =	vadd.f32 v5, v14;
	v5 =	vadd.s32 v63, v13  }
.LBB2_12:
0x13b: {  	v13 =	vxor.u32 $0x80000000, v12  }
0x13c: {  	(xrf0) =	vmax.scan.msk.u32 $0xffff, v13;
	_ =	sdelay $0x5  }
0x13d: {  	v13, _, _ =	vpop (xrf0)  }
0x13e: {  	(v2sf) =	vpush v13, $0xF;
	_ =	sdelay $0xe  }
0x13f: {  	s0 =	spop (v2sf)  }
0x140: {  	p0 =	seq.s32 s0, $0x80000003  }
.Ltmp9:
0x141: {  	_ = 	snop;
	(pc) =	sbr.rel @p0 .LBB2_18-.Ltmp9, $1  }
0x142: {  	_ =	sdelay $0x3  }
0x143: {  	s0 =	simm.s32 $0x0  }
0x144: {  	v7 =	vld [tilespmem:s0+$0x3B00]  }
0x145: {  	v15 =	vld [tilespmem:s0+$0x3B10];
	_ =	sdelay $0x2  }
0x146: {  	v12 =	vimm.f32 $+Inf  }
0x147: {  	s1 =	simm.s32 $0x20;
	v11 =	vmax.f32 v12, v7;
	v14 =	vmin.f32 v12, v7  }
0x148: {  	v8 =	vld [tilespmem:s1+$0x3B00];
	v7 =	vmax.f32 v12, v11;
	v16 =	vmin.f32 v12, v11;
	v17 =	vmax.f32 v14, v15  }
0x149: {  	s0 =	simm.s32 $0x100;
	v11 =	vld [tilespmem:s1+$0x3B10];
	v12 =	vmin.f32 v12, v7;
	v13 =	vmax.f32 v16, v17;
	v7 =	vmin.f32 v16, v17  }
.LBB2_14:
0x14a: {  	p0 =	sne.s32 s0, $0x1F80;
	v14 =	vmin.f32 v14, v15;
	v12 =	vmin.f32 v12, v13;
	s1 =	smov.u32 s0;
	s0 =	sadd.s32 $0x80, s0  }
.Ltmp10:
0x14b: {  	(pc) =	sbr.rel @p0 .LBB2_14-.Ltmp10, $4  }
0x14c: {  	_ = 	snop  }
0x14d: {  	s1 =	sshra.s32 s1, $0x2;
	v13 =	vmax.f32 v14, v8;
	v14 =	vmin.f32 v14, v8  }
0x14e: {  	v8 =	vld [tilespmem:s1+$0x3B00];
	v16 =	vmax.f32 v7, v13;
	v7 =	vmin.f32 v7, v13;
	v17 =	vmax.f32 v14, v11;
	v15 =	vmovc v11  }
0x14f: {  	v11 =	vld [tilespmem:s1+$0x3B10];
	v12 =	vmin.f32 v12, v16;
	v13 =	vmax.f32 v7, v17;
	v7 =	vmin.f32 v7, v17  }
0x150: {  	_ =	sdelay $0x1  }
0x151: {  	v14 =	vmin.f32 v14, v15  }
0x152: {  	v15 =	vmin.f32 v14, v8  }
0x153: {  	v16 =	vmin.f32 v15, v11  }
0x154: {  	v17 =	vperm.xlane v16, v1;
	_ =	sdelay $0x1  }
0x155: {  	v17 =	vmin.f32 v16, v17  }
0x156: {  	v18 =	vperm.xlane v17, v2;
	_ =	sdelay $0x1  }
0x157: {  	v17 =	vmin.f32 v17, v18  }
0x158: {  	v18 =	vperm.xlane v17, v3;
	_ =	sdelay $0x1  }
0x159: {  	v17 =	vmin.f32 v17, v18  }
0x15a: {  	v18 =	vperm.xlane v17, v4  }
0x15b: {  	v8 =	vmax.f32 v14, v8  }
0x15c: {  	v14 =	vmin.f32 v7, v8;
	v11 =	vmax.f32 v15, v11;
	v15 =	vmin.f32 v17, v18  }
0x15d: {  	v17 =	vmin.f32 v14, v11;
	vm2 =	veq.f32 v16, v15  }
0x15e: {  	v15 =	vsel vm2, v17, v16  }
0x15f: {  	v16 =	vperm.xlane v15, v1;
	_ =	sdelay $0x1  }
0x160: {  	v16 =	vmin.f32 v15, v16  }
0x161: {  	v18 =	vperm.xlane v16, v2;
	_ =	sdelay $0x1  }
0x162: {  	v16 =	vmin.f32 v16, v18  }
0x163: {  	v18 =	vperm.xlane v16, v3;
	_ =	sdelay $0x1  }
0x164: {  	v16 =	vmin.f32 v16, v18  }
0x165: {  	v12 =	vmin.f32 v12, v13;
	v7 =	vmax.f32 v7, v8;
	v8 =	vperm.xlane v16, v4  }
0x166: {  	v7 =	vmin.f32 v12, v7;
	v11 =	vmax.f32 v14, v11  }
0x167: {  	v7 =	vmin.f32 v7, v11;
	v8 =	vmin.f32 v16, v8  }
0x168: {  	v7 =	vsel vm2, v7, v17;
	vm2 =	veq.f32 v15, v8  }
0x169: {  	v7 =	vsel vm2, v7, v15  }
0x16a: {  	v8 =	vperm.xlane v7, v1;
	_ =	sdelay $0x1  }
0x16b: {  	v7 =	vmin.f32 v7, v8  }
0x16c: {  	s1 =	simm.s32 $0x0;
	v8 =	vperm.xlane v7, v2  }
0x16d: {  	v19 =	vld [tilespmem:s1+$0x2000]  }
0x16e: {  	v11 =	vld [tilespmem:s1+$0x3B10];
	v7 =	vmin.f32 v7, v8  }
0x16f: {  	v18 =	vld [tilespmem:s1+$0x1800];
	v8 =	vperm.xlane v7, v3  }
0x170: {  	v15 =	vld [tilespmem:s1+$0x1810]  }
0x171: {  	v7 =	vmin.f32 v7, v8;
	v8 =	vld [tilespmem:s1+$0x3B00]  }
0x172: {  	v16 =	vld [tilespmem:s1+$0x2010];
	v12 =	vperm.xlane v7, v4  }
0x173: {  	v20 =	vld [tilespmem:s1+$0x2800]  }
0x174: {  	s0 =	simm.s32 $0x20;
	v14 =	vld [tilespmem:s1+$0x2810];
	v7 =	vmin.f32 v7, v12  }
0x175: {  	v22 =	vimm.f32 $0.0e+00;
	v12 =	vld [tilespmem:s0+$0x1810];
	vm2 =	vle.f32 v11, v7  }
0x176: {  	v13 =	vimm.s32 $0x0;
	v11 =	vld [tilespmem:s0+$0x2010];
	vm3 =	vle.f32 v8, v7;
	v17 =	vnsel vm2, $0x0, v15  }
0x177: {  	v8 =	vld [tilespmem:s0+$0x1800];
	v21 =	vnsel vm3, $0x0, v18;
	v24 =	vnsel vm3, $0x0, v19;
	v18 =	vnsel vm2, $0x0, v16  }
0x178: {  	v15 =	vld [tilespmem:s0+$0x3B10];
	v20 =	vnsel vm3, $0x0, v20;
	v23 =	vmpcnt.ones.xlane vm3;
	v19 =	vadd.f32 v21, v22  }
0x179: {  	s1 =	simm.s32 $0x100;
	v16 =	vld [tilespmem:s0+$0x3B00];
	v21 =	vadd.f32 v24, v22;
	v22 =	vadd.f32 v20, v22;
	v20 =	vmpcnt.ones.xlane vm2  }
.LBB2_16:
0x17a: {  	p0 =	sne.s32 s1, $0x1F80;
	v24 =	vld [tilespmem:s0+$0x2000];
	v13 =	vadd.s32 v13, v23;
	v19 =	vadd.f32 v17, v19;
	v14 =	vnsel vm2, $0x0, v14  }
0x17b: {  	s17 =	sshra.s32 s1, $0x2;
	v23 =	vld [tilespmem:s0+$0x2800];
	v21 =	vadd.f32 v18, v21;
	v22 =	vadd.f32 v14, v22;
	v13 =	vadd.s32 v20, v13;
	v18 =	vmovc v11  }
0x17c: {  	v25 =	vld [tilespmem:s17+$0x1810]  }
.Ltmp11:
0x17d: {  	vm2 =	vle.f32 v15, v7;
	v14 =	vld [tilespmem:s0+$0x2810];
	s0 =	smov.u32 s17;
	(pc) =	sbr.rel @p0 .LBB2_16-.Ltmp11, $4  }
0x17e: {  	v11 =	vld [tilespmem:s0+$0x2010];
	vm3 =	vle.f32 v16, v7;
	v17 =	vnsel vm2, $0x0, v12  }
0x17f: {  	v18 =	vnsel vm2, $0x0, v18;
	v26 =	vnsel vm3, $0x0, v8;
	v8 =	vld [tilespmem:s0+$0x1800];
	v20 =	vnsel vm3, $0x0, v24  }
0x180: {  	v15 =	vld [tilespmem:s0+$0x3B10];
	v19 =	vadd.f32 v26, v19;
	v24 =	vnsel vm3, $0x0, v23;
	v23 =	vmpcnt.ones.xlane vm3  }
0x181: {  	s1 =	sadd.s32 $0x80, s1;
	v21 =	vadd.f32 v20, v21;
	v20 =	vmpcnt.ones.xlane vm2;
	v16 =	vld [tilespmem:s0+$0x3B00];
	v22 =	vadd.f32 v24, v22;
	v12 =	vmovc v25  }
0x182: {  	v24 =	vld [tilespmem:s0+$0x2000]  }
0x183: {  	v25 =	vld [tilespmem:s0+$0x2800]  }
0x184: {  	v13 =	vadd.s32 v13, v23;
	v17 =	vadd.f32 v17, v19;
	v14 =	vnsel vm2, $0x0, v14  }
0x185: {  	v18 =	vadd.f32 v18, v21;
	v14 =	vadd.f32 v14, v22;
	vm2 =	vle.f32 v15, v7;
	v15 =	vld [tilespmem:s0+$0x2810]  }
0x186: {  	v13 =	vadd.s32 v20, v13;
	vm3 =	vle.f32 v16, v7;
	v7 =	vnsel vm2, $0x0, v12  }
.Ltmp12:
0x187: {  	v11 =	vnsel vm2, $0x0, v11;
	v8 =	vnsel vm3, $0x0, v8;
	v12 =	vnsel vm3, $0x0, v24;
	(pc) =	sbr.rel .LBB2_18-.Ltmp12, $4  }
0x188: {  	v16 =	vnsel vm3, $0x0, v25;
	v62 =	vmpcnt.ones.xlane vm3;
	v8 =	vadd.f32 v8, v17  }
0x189: {  	v63 =	vmpcnt.ones.xlane vm2;
	v12 =	vadd.f32 v12, v18;
	v14 =	vadd.f32 v16, v14  }
0x18a: {  	v13 =	vadd.s32 v13, v62;
	v7 =	vadd.f32 v7, v8;
	v8 =	vnsel vm2, $0x0, v15  }
0x18b: {  	v11 =	vadd.f32 v11, v12;
	v12 =	vadd.s32 v63, v13;
	v8 =	vadd.f32 v8, v14  }
.LBB2_20:
0x18c: {  	_ =	sfence.sel $0x180000  }
0x18d: {  	[bflag:$0x0] =	sbarrier.arrive $0xFFFF  }
0x18e: {  	_ =	strace $0x90000047  }
0x18f: {  	s0 =	stileid.u32;
	[bflag:$0x2] =	sbarrier.arrive $0xFFFF  }
0x190: {  	p0 =	sne.s32 s0, $0x0;
	s0 =	rddreg [dreg:$0x2]  }
0x191: {  	s0 =	sadd.s32 @!p0 $0x100000, s0  }
0x192: {  	[sflag:s0] =	ssyncadd.tile.s32 @!p0 $0x1;
	_ =	shalt  }
.Lfunc_end2:
_tile_overlayer_lowered:
.L_overlay_start_2:
0x193: {  	(tag) =	ssettag $0x2  }
0x194: {  	s0 =	rddreg [dreg:$0x0];
	s2 =	stileid.u32  }
0x195: {  	s1 =	rddreg [dreg:$0x1];
	p0 =	sne.s32 s2, $0x0  }
0x196: {  	s3 =	rddreg [dreg:$0x2];
	[bflag:$0x3] =	sbarrier.arrive $0xFFFF;
	s2 =	simm.s32 @!p0 $0x1C01  }
0x197: {  	[timem:s3], [sflag:s2] =	dma.local @!p0 [hbm:s0], s1  }
0x198: {  	s0 =	simm.s32 @!p0 $0x1  }
0x199: {  	_ =	swait.ge @!p0 [sflag:s0], s1  }
0x19a: {  	s1 =	ssub.s32 @!p0 $0x0, s1;
	[sflag:s0] =	ssyncset.done @!p0 $0x0  }
0x19b: {  	[sflag:s0] =	ssyncadd.s32 @!p0 s1  }
0x19c: {  	[bflag:$0x3] =	sbarrier.arrive $0xFFFF  }
0x19d: {  	_ =	shalt  }

</sc_bundles>
